<compile_context>
chip_gen: v7x
topology: tpu7x:2x2x1
jax: 0.10.2.dev20260603
libtpu: 0.0.44.dev20260713+nightly
codegen_flags: <defaults>
</compile_context>

<pallas_src>
import functools

import jax
import jax.numpy as jnp
from jax import lax
from jax.experimental import pallas as pl
from jax.experimental.pallas import tpu as pltpu
from jax.experimental.pallas import tpu_sc as plsc

_BATCH = 16384
_FIELDS = 100
_DIM = 32
_B = _BATCH * _FIELDS

_NC = 2
_NS = 16
_NW = _NC * _NS
_BPW = _B // _NW
_CHUNK = 1600
_NCHUNKS = _BPW // _CHUNK


def _make_kernel():
  mesh = plsc.VectorSubcoreMesh(core_axis_name="c", subcore_axis_name="s")

  @functools.partial(
      pl.kernel,
      out_type=jax.ShapeDtypeStruct((_B, _DIM), jnp.float32),
      mesh=mesh,
      scratch_types=[
          pltpu.VMEM((_CHUNK,), jnp.int32),
          pltpu.VMEM((_CHUNK,), jnp.int32),
          pltpu.VMEM((_CHUNK, _DIM), jnp.float32),
          pltpu.VMEM((_CHUNK, _DIM), jnp.float32),
          pltpu.SemaphoreType.DMA,
          pltpu.SemaphoreType.DMA,
          pltpu.SemaphoreType.DMA,
          pltpu.SemaphoreType.DMA,
          pltpu.SemaphoreType.DMA,
          pltpu.SemaphoreType.DMA,
      ],
      compiler_params=pltpu.CompilerParams(use_tc_tiling_on_sc=False),
  )
  def gather_kernel(idx_hbm, table_hbm, out_hbm,
                    idx_v0, idx_v1, rows_v0, rows_v1,
                    sem_i0, sem_i1, sem_g0, sem_g1, sem_o0, sem_o1):
    idx_v = (idx_v0, idx_v1)
    rows_v = (rows_v0, rows_v1)
    sem_i = (sem_i0, sem_i1)
    sem_g = (sem_g0, sem_g1)
    sem_o = (sem_o0, sem_o1)

    wid = lax.axis_index("s") * _NC + lax.axis_index("c")
    base = wid * _BPW

    def idx_copy(g, s):
      return pltpu.make_async_copy(
          idx_hbm.at[pl.ds(base + g * _CHUNK, _CHUNK)], idx_v[s], sem_i[s])

    def out_copies(g, s):
      return [
          pltpu.make_async_copy(
              rows_v[s],
              out_hbm.at[pl.ds(base + g * _CHUNK, _CHUNK)], sem_o[s])
      ]

    idx_copy(0, 0).start()
    idx_copy(1, 1).start()

    def pair_body(h, carry):
      for s in (0, 1):
        g = h * 2 + s
        idx_copy(g, s).wait()

        @pl.when(h >= 1)
        def _wait_out():
          for c in out_copies(g - 2, s):
            c.wait()

        gather = pltpu.make_async_copy(
            table_hbm.at[idx_v[s]], rows_v[s], sem_g[s])
        gather.start()
        gather.wait()

        for c in out_copies(g, s):
          c.start()

        @pl.when(h < _NCHUNKS // 2 - 1)
        def _prefetch_idx():
          idx_copy(g + 2, s).start()
      return carry

    lax.fori_loop(0, _NCHUNKS // 2, pair_body, 0)

    for c in out_copies(_NCHUNKS - 2, 0):
      c.wait()
    for c in out_copies(_NCHUNKS - 1, 1):
      c.wait()

  return gather_kernel


_kernel_fn = _make_kernel()

_BBLK = 128


def _tc_transpose_body(x_ref, o_ref):
  x = x_ref[...]
  for k in range(_FIELDS * _DIM // _BBLK):
    t = x[:, k * _BBLK:(k + 1) * _BBLK].T
    for j in range(4):
      f = k * 4 + j
      o_ref[f] = t[j * _DIM:(j + 1) * _DIM, :]


_tc_transpose = pl.pallas_call(
    _tc_transpose_body,
    grid=(_BATCH // _BBLK,),
    in_specs=[pl.BlockSpec((_BBLK, _FIELDS * _DIM), lambda i: (i, 0))],
    out_specs=pl.BlockSpec((_FIELDS, _DIM, _BBLK), lambda i: (0, 0, i)),
    out_shape=jax.ShapeDtypeStruct((_FIELDS, _DIM, _BATCH), jnp.float32),
)


@jax.jit
def kernel(region_ids, embedding_table):
  rows = _kernel_fn(region_ids.reshape(_B), embedding_table)
  out = _tc_transpose(rows.reshape(_BATCH, _FIELDS * _DIM))
  return out.transpose(2, 0, 1)

# --- scband reference (transcript-rebuilt; emitter-appended) ---
"""Pipeline reference for scband-region-embedding-16578573762710 (READ-ONLY COPY).

The authoritative reference and input builder live on the scoring server;
editing this copy changes nothing except your own understanding.
"""

import jax, jax.numpy as jnp
import numpy as np

NUM_REGIONS = 1000000
EMBED_DIM = 32
BATCH = 16384
FIELDS = 100

def setup_inputs(seed: int = 0) -> dict:
    key = jax.random.key(seed)
    k_idx, k_tab = jax.random.split(key)
    region_ids = jax.random.randint(k_idx, (BATCH, FIELDS), 0, NUM_REGIONS, dtype=jnp.int64) if jax.config.jax_enable_x64 else jax.random.randint(k_idx, (BATCH, FIELDS), 0, NUM_REGIONS, dtype=jnp.int32)
    embedding_table = jax.random.normal(k_tab, (NUM_REGIONS, EMBED_DIM), dtype=jnp.float32)
    return {"region_ids": region_ids, "embedding_table": embedding_table}

def reference(region_ids, embedding_table):
    # nn.Embedding forward: simple row gather from the table
    return jnp.take(embedding_table, region_ids, axis=0)

if __name__ == "__main__":
    import jax
    _d = setup_inputs()
    print(jax.jit(kernel)(*tuple(_d.values())))

</pallas_src>

<mosaic_0001>
#map = affine_map<(d0, d1) -> (0)>
#map1 = affine_map<(d0, d1) -> (0, 0)>
module attributes {stable_mosaic.version = 14 : i64} {
  func.func @gather_kernel(%arg0: i32, %arg1: i32, %arg2: memref<1638400xi32, #tpu.memory_space<hbm>>, %arg3: memref<1000000x32xf32, #tpu.memory_space<hbm>>, %arg4: memref<1638400x32xf32, #tpu.memory_space<hbm>>, %arg5: memref<1600xi32, #tpu.memory_space<vmem>>, %arg6: memref<1600xi32, #tpu.memory_space<vmem>>, %arg7: memref<1600x32xf32, #tpu.memory_space<vmem>>, %arg8: memref<1600x32xf32, #tpu.memory_space<vmem>>, %arg9: memref<!tpu.dma_semaphore, #tpu.memory_space<semaphore_mem>>, %arg10: memref<!tpu.dma_semaphore, #tpu.memory_space<semaphore_mem>>, %arg11: memref<!tpu.dma_semaphore, #tpu.memory_space<semaphore_mem>>, %arg12: memref<!tpu.dma_semaphore, #tpu.memory_space<semaphore_mem>>, %arg13: memref<!tpu.dma_semaphore, #tpu.memory_space<semaphore_mem>>, %arg14: memref<!tpu.dma_semaphore, #tpu.memory_space<semaphore_mem>>) attributes {dimension_semantics = [#tpu.dimension_semantics<core_parallel>, #tpu.dimension_semantics<subcore_parallel>], iteration_bounds = array<i64: 2, 16>, scalar_prefetch = 0 : i64, scratch_operands = 10 : i64, tpu.core_type = #tpu.core_type<sc_vector_subcore>, window_params = [{transform_indices = #map}, {transform_indices = #map1}, {transform_indices = #map1}]} {
    %mul3A = arith.constant 2 : i32
    %mul3A_0 = arith.muli %arg1, %mul3A : i32
    %add3A = arith.addi %mul3A_0, %arg0 : i32
    %mul3A_1 = arith.constant 51200 : i32
    %mul3A_2 = arith.muli %add3A, %mul3A_1 : i32
    %add3A_3 = arith.constant 0 : i32
    %add3A_4 = arith.addi %mul3A_2, %add3A_3 : i32
    %dma_start3A = tpu.memref_slice %arg2[%add3A_4] : memref<1638400xi32, #tpu.memory_space<hbm>> -> memref<1600xi32, #tpu.memory_space<hbm>>
    %dma_start3A_5 = tpu.memref_slice %arg2[%add3A_4] : memref<1638400xi32, #tpu.memory_space<hbm>> -> memref<1600xi32, #tpu.memory_space<hbm>>
    tpu.enqueue_dma source(%dma_start3A_5 : memref<1600xi32, #tpu.memory_space<hbm>>) target(%arg5 : memref<1600xi32, #tpu.memory_space<vmem>>) target_semaphore(%arg9 : memref<!tpu.dma_semaphore, #tpu.memory_space<semaphore_mem>>)
    %add3A_6 = arith.constant 1600 : i32
    %add3A_7 = arith.addi %mul3A_2, %add3A_6 : i32
    %dma_start3A_8 = tpu.memref_slice %arg2[%add3A_7] : memref<1638400xi32, #tpu.memory_space<hbm>> -> memref<1600xi32, #tpu.memory_space<hbm>>
    %dma_start3A_9 = tpu.memref_slice %arg2[%add3A_7] : memref<1638400xi32, #tpu.memory_space<hbm>> -> memref<1600xi32, #tpu.memory_space<hbm>>
    tpu.enqueue_dma source(%dma_start3A_9 : memref<1600xi32, #tpu.memory_space<hbm>>) target(%arg6 : memref<1600xi32, #tpu.memory_space<vmem>>) target_semaphore(%arg10 : memref<!tpu.dma_semaphore, #tpu.memory_space<semaphore_mem>>)
    %scan3A = arith.constant 0 : i32
    %scan3A_10 = arith.constant 0 : i32
    %scan3A_11 = arith.constant 16 : i32
    %scan3A_12 = arith.addi %scan3A_10, %scan3A_11 : i32
    %scan3A_13 = arith.constant 1 : i32
    scf.for %scan3A_26 = %scan3A_10 to %scan3A_12 step %scan3A_13  : i32 {
      %mul3A_27 = arith.constant 2 : i32
      %mul3A_28 = arith.muli %scan3A_26, %mul3A_27 : i32
      %add3A_29 = arith.constant 0 : i32
      %add3A_30 = arith.addi %mul3A_28, %add3A_29 : i32
      %mul3A_31 = arith.constant 1600 : i32
      %mul3A_32 = arith.muli %add3A_30, %mul3A_31 : i32
      %add3A_33 = arith.addi %mul3A_2, %mul3A_32 : i32
      %dma_wait3A_34 = tpu.memref_slice %arg2[%add3A_33] : memref<1638400xi32, #tpu.memory_space<hbm>> -> memref<1600xi32, #tpu.memory_space<hbm>>
      %dma_wait3A_35 = tpu.memref_slice %arg2[%add3A_33] : memref<1638400xi32, #tpu.memory_space<hbm>> -> memref<1600xi32, #tpu.memory_space<hbm>>
      tpu.wait_dma2 semaphore(%arg9 : memref<!tpu.dma_semaphore, #tpu.memory_space<semaphore_mem>>) src(%dma_wait3A_35 : memref<1600xi32, #tpu.memory_space<hbm>>) dst(%arg5 : memref<1600xi32, #tpu.memory_space<vmem>>)
      %ge3A = arith.constant 1 : i32
      %ge3A_36 = arith.cmpi sge, %scan3A_26, %ge3A : i32
      %convert_element_type3A = arith.extui %ge3A_36 : i1 to i32
      %cond3A = arith.constant 0 : i32
      %cond3A_37 = arith.cmpi ne, %convert_element_type3A, %cond3A : i32
      scf.if %cond3A_37 {
        %sub3A = arith.constant 2 : i32
        %sub3A_87 = arith.subi %add3A_30, %sub3A : i32
        %mul3A_88 = arith.constant 1600 : i32
        %mul3A_89 = arith.muli %sub3A_87, %mul3A_88 : i32
        %add3A_90 = arith.addi %mul3A_2, %mul3A_89 : i32
        %dma_wait3A_91 = arith.constant 0 : i32
        %dma_wait3A_92 = tpu.memref_slice %arg4[%add3A_90, %dma_wait3A_91] : memref<1638400x32xf32, #tpu.memory_space<hbm>> -> memref<1600x32xf32, #tpu.memory_space<hbm>>
        %dma_wait3A_93 = arith.constant 0 : i32
        %dma_wait3A_94 = tpu.memref_slice %arg4[%add3A_90, %dma_wait3A_93] : memref<1638400x32xf32, #tpu.memory_space<hbm>> -> memref<1600x32xf32, #tpu.memory_space<hbm>>
        tpu.wait_dma2 semaphore(%arg13 : memref<!tpu.dma_semaphore, #tpu.memory_space<semaphore_mem>>) src(%arg7 : memref<1600x32xf32, #tpu.memory_space<vmem>>) dst(%dma_wait3A_94 : memref<1600x32xf32, #tpu.memory_space<hbm>>)
      } else {
      }
      %dma_start3A_38 = arith.constant 0 : i32
      %dma_start3A_39 = arith.constant 0 : i32
      %dma_start3A_40 = tpu.memref_slice %arg3[%dma_start3A_38, %dma_start3A_39] : memref<1000000x32xf32, #tpu.memory_space<hbm>> -> memref<1000000x32xf32, #tpu.memory_space<hbm>>
      tpu.enqueue_indirect_dma source(%dma_start3A_40 : memref<1000000x32xf32, #tpu.memory_space<hbm>>) target(%arg7 : memref<1600x32xf32, #tpu.memory_space<vmem>>) offsets(%arg5 : memref<1600xi32, #tpu.memory_space<vmem>>) semaphore(%arg11 : memref<!tpu.dma_semaphore, #tpu.memory_space<semaphore_mem>>)
      %dma_wait3A_41 = arith.constant 0 : i32
      %dma_wait3A_42 = arith.constant 0 : i32
      %dma_wait3A_43 = tpu.memref_slice %arg3[%dma_wait3A_41, %dma_wait3A_42] : memref<1000000x32xf32, #tpu.memory_space<hbm>> -> memref<1000000x32xf32, #tpu.memory_space<hbm>>
      tpu.wait_indirect_dma semaphore(%arg11 : memref<!tpu.dma_semaphore, #tpu.memory_space<semaphore_mem>>) src(%dma_wait3A_43 : memref<1000000x32xf32, #tpu.memory_space<hbm>>) dst(%arg7 : memref<1600x32xf32, #tpu.memory_space<vmem>>)
      %mul3A_44 = arith.constant 1600 : i32
      %mul3A_45 = arith.muli %add3A_30, %mul3A_44 : i32
      %add3A_46 = arith.addi %mul3A_2, %mul3A_45 : i32
      %dma_start3A_47 = arith.constant 0 : i32
      %dma_start3A_48 = tpu.memref_slice %arg4[%add3A_46, %dma_start3A_47] : memref<1638400x32xf32, #tpu.memory_space<hbm>> -> memref<1600x32xf32, #tpu.memory_space<hbm>>
      %dma_start3A_49 = arith.constant 0 : i32
      %dma_start3A_50 = tpu.memref_slice %arg4[%add3A_46, %dma_start3A_49] : memref<1638400x32xf32, #tpu.memory_space<hbm>> -> memref<1600x32xf32, #tpu.memory_space<hbm>>
      tpu.enqueue_dma source(%arg7 : memref<1600x32xf32, #tpu.memory_space<vmem>>) target(%dma_start3A_50 : memref<1600x32xf32, #tpu.memory_space<hbm>>) target_semaphore(%arg13 : memref<!tpu.dma_semaphore, #tpu.memory_space<semaphore_mem>>)
      %lt3A = arith.constant 15 : i32
      %lt3A_51 = arith.cmpi slt, %scan3A_26, %lt3A : i32
      %convert_element_type3A_52 = arith.extui %lt3A_51 : i1 to i32
      %cond3A_53 = arith.constant 0 : i32
      %cond3A_54 = arith.cmpi ne, %convert_element_type3A_52, %cond3A_53 : i32
      scf.if %cond3A_54 {
        %add3A_87 = arith.constant 2 : i32
        %add3A_88 = arith.addi %add3A_30, %add3A_87 : i32
        %mul3A_89 = arith.constant 1600 : i32
        %mul3A_90 = arith.muli %add3A_88, %mul3A_89 : i32
        %add3A_91 = arith.addi %mul3A_2, %mul3A_90 : i32
        %dma_start3A_92 = tpu.memref_slice %arg2[%add3A_91] : memref<1638400xi32, #tpu.memory_space<hbm>> -> memref<1600xi32, #tpu.memory_space<hbm>>
        %dma_start3A_93 = tpu.memref_slice %arg2[%add3A_91] : memref<1638400xi32, #tpu.memory_space<hbm>> -> memref<1600xi32, #tpu.memory_space<hbm>>
        tpu.enqueue_dma source(%dma_start3A_93 : memref<1600xi32, #tpu.memory_space<hbm>>) target(%arg5 : memref<1600xi32, #tpu.memory_space<vmem>>) target_semaphore(%arg9 : memref<!tpu.dma_semaphore, #tpu.memory_space<semaphore_mem>>)
      } else {
      }
      %mul3A_55 = arith.constant 2 : i32
      %mul3A_56 = arith.muli %scan3A_26, %mul3A_55 : i32
      %add3A_57 = arith.constant 1 : i32
      %add3A_58 = arith.addi %mul3A_56, %add3A_57 : i32
      %mul3A_59 = arith.constant 1600 : i32
      %mul3A_60 = arith.muli %add3A_58, %mul3A_59 : i32
      %add3A_61 = arith.addi %mul3A_2, %mul3A_60 : i32
      %dma_wait3A_62 = tpu.memref_slice %arg2[%add3A_61] : memref<1638400xi32, #tpu.memory_space<hbm>> -> memref<1600xi32, #tpu.memory_space<hbm>>
      %dma_wait3A_63 = tpu.memref_slice %arg2[%add3A_61] : memref<1638400xi32, #tpu.memory_space<hbm>> -> memref<1600xi32, #tpu.memory_space<hbm>>
      tpu.wait_dma2 semaphore(%arg10 : memref<!tpu.dma_semaphore, #tpu.memory_space<semaphore_mem>>) src(%dma_wait3A_63 : memref<1600xi32, #tpu.memory_space<hbm>>) dst(%arg6 : memref<1600xi32, #tpu.memory_space<vmem>>)
      %ge3A_64 = arith.constant 1 : i32
      %ge3A_65 = arith.cmpi sge, %scan3A_26, %ge3A_64 : i32
      %convert_element_type3A_66 = arith.extui %ge3A_65 : i1 to i32
      %cond3A_67 = arith.constant 0 : i32
      %cond3A_68 = arith.cmpi ne, %convert_element_type3A_66, %cond3A_67 : i32
      scf.if %cond3A_68 {
        %sub3A = arith.constant 2 : i32
        %sub3A_87 = arith.subi %add3A_58, %sub3A : i32
        %mul3A_88 = arith.constant 1600 : i32
        %mul3A_89 = arith.muli %sub3A_87, %mul3A_88 : i32
        %add3A_90 = arith.addi %mul3A_2, %mul3A_89 : i32
        %dma_wait3A_91 = arith.constant 0 : i32
        %dma_wait3A_92 = tpu.memref_slice %arg4[%add3A_90, %dma_wait3A_91] : memref<1638400x32xf32, #tpu.memory_space<hbm>> -> memref<1600x32xf32, #tpu.memory_space<hbm>>
        %dma_wait3A_93 = arith.constant 0 : i32
        %dma_wait3A_94 = tpu.memref_slice %arg4[%add3A_90, %dma_wait3A_93] : memref<1638400x32xf32, #tpu.memory_space<hbm>> -> memref<1600x32xf32, #tpu.memory_space<hbm>>
        tpu.wait_dma2 semaphore(%arg14 : memref<!tpu.dma_semaphore, #tpu.memory_space<semaphore_mem>>) src(%arg8 : memref<1600x32xf32, #tpu.memory_space<vmem>>) dst(%dma_wait3A_94 : memref<1600x32xf32, #tpu.memory_space<hbm>>)
      } else {
      }
      %dma_start3A_69 = arith.constant 0 : i32
      %dma_start3A_70 = arith.constant 0 : i32
      %dma_start3A_71 = tpu.memref_slice %arg3[%dma_start3A_69, %dma_start3A_70] : memref<1000000x32xf32, #tpu.memory_space<hbm>> -> memref<1000000x32xf32, #tpu.memory_space<hbm>>
      tpu.enqueue_indirect_dma source(%dma_start3A_71 : memref<1000000x32xf32, #tpu.memory_space<hbm>>) target(%arg8 : memref<1600x32xf32, #tpu.memory_space<vmem>>) offsets(%arg6 : memref<1600xi32, #tpu.memory_space<vmem>>) semaphore(%arg12 : memref<!tpu.dma_semaphore, #tpu.memory_space<semaphore_mem>>)
      %dma_wait3A_72 = arith.constant 0 : i32
      %dma_wait3A_73 = arith.constant 0 : i32
      %dma_wait3A_74 = tpu.memref_slice %arg3[%dma_wait3A_72, %dma_wait3A_73] : memref<1000000x32xf32, #tpu.memory_space<hbm>> -> memref<1000000x32xf32, #tpu.memory_space<hbm>>
      tpu.wait_indirect_dma semaphore(%arg12 : memref<!tpu.dma_semaphore, #tpu.memory_space<semaphore_mem>>) src(%dma_wait3A_74 : memref<1000000x32xf32, #tpu.memory_space<hbm>>) dst(%arg8 : memref<1600x32xf32, #tpu.memory_space<vmem>>)
      %mul3A_75 = arith.constant 1600 : i32
      %mul3A_76 = arith.muli %add3A_58, %mul3A_75 : i32
      %add3A_77 = arith.addi %mul3A_2, %mul3A_76 : i32
      %dma_start3A_78 = arith.constant 0 : i32
      %dma_start3A_79 = tpu.memref_slice %arg4[%add3A_77, %dma_start3A_78] : memref<1638400x32xf32, #tpu.memory_space<hbm>> -> memref<1600x32xf32, #tpu.memory_space<hbm>>
      %dma_start3A_80 = arith.constant 0 : i32
      %dma_start3A_81 = tpu.memref_slice %arg4[%add3A_77, %dma_start3A_80] : memref<1638400x32xf32, #tpu.memory_space<hbm>> -> memref<1600x32xf32, #tpu.memory_space<hbm>>
      tpu.enqueue_dma source(%arg8 : memref<1600x32xf32, #tpu.memory_space<vmem>>) target(%dma_start3A_81 : memref<1600x32xf32, #tpu.memory_space<hbm>>) target_semaphore(%arg14 : memref<!tpu.dma_semaphore, #tpu.memory_space<semaphore_mem>>)
      %lt3A_82 = arith.constant 15 : i32
      %lt3A_83 = arith.cmpi slt, %scan3A_26, %lt3A_82 : i32
      %convert_element_type3A_84 = arith.extui %lt3A_83 : i1 to i32
      %cond3A_85 = arith.constant 0 : i32
      %cond3A_86 = arith.cmpi ne, %convert_element_type3A_84, %cond3A_85 : i32
      scf.if %cond3A_86 {
        %add3A_87 = arith.constant 2 : i32
        %add3A_88 = arith.addi %add3A_58, %add3A_87 : i32
        %mul3A_89 = arith.constant 1600 : i32
        %mul3A_90 = arith.muli %add3A_88, %mul3A_89 : i32
        %add3A_91 = arith.addi %mul3A_2, %mul3A_90 : i32
        %dma_start3A_92 = tpu.memref_slice %arg2[%add3A_91] : memref<1638400xi32, #tpu.memory_space<hbm>> -> memref<1600xi32, #tpu.memory_space<hbm>>
        %dma_start3A_93 = tpu.memref_slice %arg2[%add3A_91] : memref<1638400xi32, #tpu.memory_space<hbm>> -> memref<1600xi32, #tpu.memory_space<hbm>>
        tpu.enqueue_dma source(%dma_start3A_93 : memref<1600xi32, #tpu.memory_space<hbm>>) target(%arg6 : memref<1600xi32, #tpu.memory_space<vmem>>) target_semaphore(%arg10 : memref<!tpu.dma_semaphore, #tpu.memory_space<semaphore_mem>>)
      } else {
      }
    }
    %scan3A_14 = arith.constant 16 : i32
    %add3A_15 = arith.constant 48000 : i32
    %add3A_16 = arith.addi %mul3A_2, %add3A_15 : i32
    %dma_wait3A = arith.constant 0 : i32
    %dma_wait3A_17 = tpu.memref_slice %arg4[%add3A_16, %dma_wait3A] : memref<1638400x32xf32, #tpu.memory_space<hbm>> -> memref<1600x32xf32, #tpu.memory_space<hbm>>
    %dma_wait3A_18 = arith.constant 0 : i32
    %dma_wait3A_19 = tpu.memref_slice %arg4[%add3A_16, %dma_wait3A_18] : memref<1638400x32xf32, #tpu.memory_space<hbm>> -> memref<1600x32xf32, #tpu.memory_space<hbm>>
    tpu.wait_dma2 semaphore(%arg13 : memref<!tpu.dma_semaphore, #tpu.memory_space<semaphore_mem>>) src(%arg7 : memref<1600x32xf32, #tpu.memory_space<vmem>>) dst(%dma_wait3A_19 : memref<1600x32xf32, #tpu.memory_space<hbm>>)
    %add3A_20 = arith.constant 49600 : i32
    %add3A_21 = arith.addi %mul3A_2, %add3A_20 : i32
    %dma_wait3A_22 = arith.constant 0 : i32
    %dma_wait3A_23 = tpu.memref_slice %arg4[%add3A_21, %dma_wait3A_22] : memref<1638400x32xf32, #tpu.memory_space<hbm>> -> memref<1600x32xf32, #tpu.memory_space<hbm>>
    %dma_wait3A_24 = arith.constant 0 : i32
    %dma_wait3A_25 = tpu.memref_slice %arg4[%add3A_21, %dma_wait3A_24] : memref<1638400x32xf32, #tpu.memory_space<hbm>> -> memref<1600x32xf32, #tpu.memory_space<hbm>>
    tpu.wait_dma2 semaphore(%arg14 : memref<!tpu.dma_semaphore, #tpu.memory_space<semaphore_mem>>) src(%arg8 : memref<1600x32xf32, #tpu.memory_space<vmem>>) dst(%dma_wait3A_25 : memref<1600x32xf32, #tpu.memory_space<hbm>>)
    return
  }
}

module attributes {stable_mosaic.version = 14 : i64} {
  func.func @_tc_transpose_body(%arg0: i32, %arg1: memref<128x3200xf32, #tpu.memory_space<vmem>>, %arg2: memref<100x32x128xf32, #tpu.memory_space<vmem>>) attributes {dimension_semantics = [#tpu.dimension_semantics<arbitrary>], iteration_bounds = array<i64: 128>, scalar_prefetch = 0 : i64, scratch_operands = 0 : i64, tpu.core_type = #tpu.core_type<tc>, window_params = [{transform_indices = @transform_0, window_bounds = array<i64: 128, 3200>}, {transform_indices = @transform_1, window_bounds = array<i64: 100, 32, 128>}]} {
    %get3A = arith.constant 0 : index
    %get3A_0 = arith.constant 0 : index
    %get3A_1 = vector.load %arg1[%get3A, %get3A_0] : memref<128x3200xf32, #tpu.memory_space<vmem>>, vector<128x3200xf32>
    %slice3A = vector.extract_strided_slice %get3A_1 {offsets = [0, 0], sizes = [128, 128], strides = [1, 1]} : vector<128x3200xf32> to vector<128x128xf32>
    %transpose3A = tpu.transpose %slice3A, [1, 0] : vector<128x128xf32> -> vector<128x128xf32>
    %slice3A_2 = vector.extract_strided_slice %transpose3A {offsets = [0, 0], sizes = [32, 128], strides = [1, 1]} : vector<128x128xf32> to vector<32x128xf32>
    %swap3A = arith.constant 0 : index
    %swap3A_3 = arith.constant 0 : index
    %swap3A_4 = arith.constant 0 : index
    %swap3A_5 = vector.load %arg2[%swap3A, %swap3A_3, %swap3A_4] : memref<100x32x128xf32, #tpu.memory_space<vmem>>, vector<1x32x128xf32>
    %swap3A_6 = vector.shape_cast %swap3A_5 : vector<1x32x128xf32> to vector<32x128xf32>
    %swap3A_7 = vector.shape_cast %slice3A_2 : vector<32x128xf32> to vector<1x32x128xf32>
    tpu.vector_store %arg2[%swap3A, %swap3A_3, %swap3A_4], %swap3A_7 {strides = array<i32>} : memref<100x32x128xf32, #tpu.memory_space<vmem>>, vector<1x32x128xf32>,
    %slice3A_8 = vector.extract_strided_slice %transpose3A {offsets = [32, 0], sizes = [32, 128], strides = [1, 1]} : vector<128x128xf32> to vector<32x128xf32>
    %swap3A_9 = arith.constant 1 : index
    %swap3A_10 = arith.constant 0 : index
    %swap3A_11 = arith.constant 0 : index
    %swap3A_12 = vector.load %arg2[%swap3A_9, %swap3A_10, %swap3A_11] : memref<100x32x128xf32, #tpu.memory_space<vmem>>, vector<1x32x128xf32>
    %swap3A_13 = vector.shape_cast %swap3A_12 : vector<1x32x128xf32> to vector<32x128xf32>
    %swap3A_14 = vector.shape_cast %slice3A_8 : vector<32x128xf32> to vector<1x32x128xf32>
    tpu.vector_store %arg2[%swap3A_9, %swap3A_10, %swap3A_11], %swap3A_14 {strides = array<i32>} : memref<100x32x128xf32, #tpu.memory_space<vmem>>, vector<1x32x128xf32>,
    %slice3A_15 = vector.extract_strided_slice %transpose3A {offsets = [64, 0], sizes = [32, 128], strides = [1, 1]} : vector<128x128xf32> to vector<32x128xf32>
    %swap3A_16 = arith.constant 2 : index
    %swap3A_17 = arith.constant 0 : index
    %swap3A_18 = arith.constant 0 : index
    %swap3A_19 = vector.load %arg2[%swap3A_16, %swap3A_17, %swap3A_18] : memref<100x32x128xf32, #tpu.memory_space<vmem>>, vector<1x32x128xf32>
    %swap3A_20 = vector.shape_cast %swap3A_19 : vector<1x32x128xf32> to vector<32x128xf32>
    %swap3A_21 = vector.shape_cast %slice3A_15 : vector<32x128xf32> to vector<1x32x128xf32>
    tpu.vector_store %arg2[%swap3A_16, %swap3A_17, %swap3A_18], %swap3A_21 {strides = array<i32>} : memref<100x32x128xf32, #tpu.memory_space<vmem>>, vector<1x32x128xf32>,
    %slice3A_22 = vector.extract_strided_slice %transpose3A {offsets = [96, 0], sizes = [32, 128], strides = [1, 1]} : vector<128x128xf32> to vector<32x128xf32>
    %swap3A_23 = arith.constant 3 : index
    %swap3A_24 = arith.constant 0 : index
    %swap3A_25 = arith.constant 0 : index
    %swap3A_26 = vector.load %arg2[%swap3A_23, %swap3A_24, %swap3A_25] : memref<100x32x128xf32, #tpu.memory_space<vmem>>, vector<1x32x128xf32>
    %swap3A_27 = vector.shape_cast %swap3A_26 : vector<1x32x128xf32> to vector<32x128xf32>
    %swap3A_28 = vector.shape_cast %slice3A_22 : vector<32x128xf32> to vector<1x32x128xf32>
    tpu.vector_store %arg2[%swap3A_23, %swap3A_24, %swap3A_25], %swap3A_28 {strides = array<i32>} : memref<100x32x128xf32, #tpu.memory_space<vmem>>, vector<1x32x128xf32>,
    %slice3A_29 = vector.extract_strided_slice %get3A_1 {offsets = [0, 128], sizes = [128, 128], strides = [1, 1]} : vector<128x3200xf32> to vector<128x128xf32>
    %transpose3A_30 = tpu.transpose %slice3A_29, [1, 0] : vector<128x128xf32> -> vector<128x128xf32>
    %slice3A_31 = vector.extract_strided_slice %transpose3A_30 {offsets = [0, 0], sizes = [32, 128], strides = [1, 1]} : vector<128x128xf32> to vector<32x128xf32>
    %swap3A_32 = arith.constant 4 : index
    %swap3A_33 = arith.constant 0 : index
    %swap3A_34 = arith.constant 0 : index
    %swap3A_35 = vector.load %arg2[%swap3A_32, %swap3A_33, %swap3A_34] : memref<100x32x128xf32, #tpu.memory_space<vmem>>, vector<1x32x128xf32>
    %swap3A_36 = vector.shape_cast %swap3A_35 : vector<1x32x128xf32> to vector<32x128xf32>
    %swap3A_37 = vector.shape_cast %slice3A_31 : vector<32x128xf32> to vector<1x32x128xf32>
    tpu.vector_store %arg2[%swap3A_32, %swap3A_33, %swap3A_34], %swap3A_37 {strides = array<i32>} : memref<100x32x128xf32, #tpu.memory_space<vmem>>, vector<1x32x128xf32>,
    %slice3A_38 = vector.extract_strided_slice %transpose3A_30 {offsets = [32, 0], sizes = [32, 128], strides = [1, 1]} : vector<128x128xf32> to vector<32x128xf32>
    %swap3A_39 = arith.constant 5 : index
    %swap3A_40 = arith.constant 0 : index
    %swap3A_41 = arith.constant 0 : index
    %swap3A_42 = vector.load %arg2[%swap3A_39, %swap3A_40, %swap3A_41] : memref<100x32x128xf32, #tpu.memory_space<vmem>>, vector<1x32x128xf32>
    %swap3A_43 = vector.shape_cast %swap3A_42 : vector<1x32x128xf32> to vector<32x128xf32>
    %swap3A_44 = vector.shape_cast %slice3A_38 : vector<32x128xf32> to vector<1x32x128xf32>
    tpu.vector_store %arg2[%swap3A_39, %swap3A_40, %swap3A_41], %swap3A_44 {strides = array<i32>} : memref<100x32x128xf32, #tpu.memory_space<vmem>>, vector<1x32x128xf32>,
    %slice3A_45 = vector.extract_strided_slice %transpose3A_30 {offsets = [64, 0], sizes = [32, 128], strides = [1, 1]} : vector<128x128xf32> to vector<32x128xf32>
    %swap3A_46 = arith.constant 6 : index
    %swap3A_47 = arith.constant 0 : index
    %swap3A_48 = arith.constant 0 : index
    %swap3A_49 = vector.load %arg2[%swap3A_46, %swap3A_47, %swap3A_48] : memref<100x32x128xf32, #tpu.memory_space<vmem>>, vector<1x32x128xf32>
    %swap3A_50 = vector.shape_cast %swap3A_49 : vector<1x32x128xf32> to vector<32x128xf32>
    %swap3A_51 = vector.shape_cast %slice3A_45 : vector<32x128xf32> to vector<1x32x128xf32>
    tpu.vector_store %arg2[%swap3A_46, %swap3A_47, %swap3A_48], %swap3A_51 {strides = array<i32>} : memref<100x32x128xf32, #tpu.memory_space<vmem>>, vector<1x32x128xf32>,
    %slice3A_52 = vector.extract_strided_slice %transpose3A_30 {offsets = [96, 0], sizes = [32, 128], strides = [1, 1]} : vector<128x128xf32> to vector<32x128xf32>
    %swap3A_53 = arith.constant 7 : index
    %swap3A_54 = arith.constant 0 : index
    %swap3A_55 = arith.constant 0 : index
    %swap3A_56 = vector.load %arg2[%swap3A_53, %swap3A_54, %swap3A_55] : memref<100x32x128xf32, #tpu.memory_space<vmem>>, vector<1x32x128xf32>
    %swap3A_57 = vector.shape_cast %swap3A_56 : vector<1x32x128xf32> to vector<32x128xf32>
    %swap3A_58 = vector.shape_cast %slice3A_52 : vector<32x128xf32> to vector<1x32x128xf32>
    tpu.vector_store %arg2[%swap3A_53, %swap3A_54, %swap3A_55], %swap3A_58 {strides = array<i32>} : memref<100x32x128xf32, #tpu.memory_space<vmem>>, vector<1x32x128xf32>,
    %slice3A_59 = vector.extract_strided_slice %get3A_1 {offsets = [0, 256], sizes = [128, 128], strides = [1, 1]} : vector<128x3200xf32> to vector<128x128xf32>
    %transpose3A_60 = tpu.transpose %slice3A_59, [1, 0] : vector<128x128xf32> -> vector<128x128xf32>
    %slice3A_61 = vector.extract_strided_slice %transpose3A_60 {offsets = [0, 0], sizes = [32, 128], strides = [1, 1]} : vector<128x128xf32> to vector<32x128xf32>
    %swap3A_62 = arith.constant 8 : index
    %swap3A_63 = arith.constant 0 : index
    %swap3A_64 = arith.constant 0 : index
    %swap3A_65 = vector.load %arg2[%swap3A_62, %swap3A_63, %swap3A_64] : memref<100x32x128xf32, #tpu.memory_space<vmem>>, vector<1x32x128xf32>
    %swap3A_66 = vector.shape_cast %swap3A_65 : vector<1x32x128xf32> to vector<32x128xf32>
    %swap3A_67 = vector.shape_cast %slice3A_61 : vector<32x128xf32> to vector<1x32x128xf32>
    tpu.vector_store %arg2[%swap3A_62, %swap3A_63, %swap3A_64], %swap3A_67 {strides = array<i32>} : memref<100x32x128xf32, #tpu.memory_space<vmem>>, vector<1x32x128xf32>,
    %slice3A_68 = vector.extract_strided_slice %transpose3A_60 {offsets = [32, 0], sizes = [32, 128], strides = [1, 1]} : vector<128x128xf32> to vector<32x128xf32>
    %swap3A_69 = arith.constant 9 : index
    %swap3A_70 = arith.constant 0 : index
    %swap3A_71 = arith.constant 0 : index
    %swap3A_72 = vector.load %arg2[%swap3A_69, %swap3A_70, %swap3A_71] : memref<100x32x128xf32, #tpu.memory_space<vmem>>, vector<1x32x128xf32>
    %swap3A_73 = vector.shape_cast %swap3A_72 : vector<1x32x128xf32> to vector<32x128xf32>
    %swap3A_74 = vector.shape_cast %slice3A_68 : vector<32x128xf32> to vector<1x32x128xf32>
    tpu.vector_store %arg2[%swap3A_69, %swap3A_70, %swap3A_71], %swap3A_74 {strides = array<i32>} : memref<100x32x128xf32, #tpu.memory_space<vmem>>, vector<1x32x128xf32>,
    %slice3A_75 = vector.extract_strided_slice %transpose3A_60 {offsets = [64, 0], sizes = [32, 128], strides = [1, 1]} : vector<128x128xf32> to vector<32x128xf32>
    %swap3A_76 = arith.constant 10 : index
    %swap3A_77 = arith.constant 0 : index
    %swap3A_78 = arith.constant 0 : index
    %swap3A_79 = vector.load %arg2[%swap3A_76, %swap3A_77, %swap3A_78] : memref<100x32x128xf32, #tpu.memory_space<vmem>>, vector<1x32x128xf32>
    %swap3A_80 = vector.shape_cast %swap3A_79 : vector<1x32x128xf32> to vector<32x128xf32>
    %swap3A_81 = vector.shape_cast %slice3A_75 : vector<32x128xf32> to vector<1x32x128xf32>
    tpu.vector_store %arg2[%swap3A_76, %swap3A_77, %swap3A_78], %swap3A_81 {strides = array<i32>} : memref<100x32x128xf32, #tpu.memory_space<vmem>>, vector<1x32x128xf32>,
    %slice3A_82 = vector.extract_strided_slice %transpose3A_60 {offsets = [96, 0], sizes = [32, 128], strides = [1, 1]} : vector<128x128xf32> to vector<32x128xf32>
    %swap3A_83 = arith.constant 11 : index
    %swap3A_84 = arith.constant 0 : index
    %swap3A_85 = arith.constant 0 : index
    %swap3A_86 = vector.load %arg2[%swap3A_83, %swap3A_84, %swap3A_85] : memref<100x32x128xf32, #tpu.memory_space<vmem>>, vector<1x32x128xf32>
    %swap3A_87 = vector.shape_cast %swap3A_86 : vector<1x32x128xf32> to vector<32x128xf32>
    %swap3A_88 = vector.shape_cast %slice3A_82 : vector<32x128xf32> to vector<1x32x128xf32>
    tpu.vector_store %arg2[%swap3A_83, %swap3A_84, %swap3A_85], %swap3A_88 {strides = array<i32>} : memref<100x32x128xf32, #tpu.memory_space<vmem>>, vector<1x32x128xf32>,
    %slice3A_89 = vector.extract_strided_slice %get3A_1 {offsets = [0, 384], sizes = [128, 128], strides = [1, 1]} : vector<128x3200xf32> to vector<128x128xf32>
    %transpose3A_90 = tpu.transpose %slice3A_89, [1, 0] : vector<128x128xf32> -> vector<128x128xf32>
    %slice3A_91 = vector.extract_strided_slice %transpose3A_90 {offsets = [0, 0], sizes = [32, 128], strides = [1, 1]} : vector<128x128xf32> to vector<32x128xf32>
    %swap3A_92 = arith.constant 12 : index
    %swap3A_93 = arith.constant 0 : index
    %swap3A_94 = arith.constant 0 : index
    %swap3A_95 = vector.load %arg2[%swap3A_92, %swap3A_93, %swap3A_94] : memref<100x32x128xf32, #tpu.memory_space<vmem>>, vector<1x32x128xf32>
    %swap3A_96 = vector.shape_cast %swap3A_95 : vector<1x32x128xf32> to vector<32x128xf32>
    %swap3A_97 = vector.shape_cast %slice3A_91 : vector<32x128xf32> to vector<1x32x128xf32>
    tpu.vector_store %arg2[%swap3A_92, %swap3A_93, %swap3A_94], %swap3A_97 {strides = array<i32>} : memref<100x32x128xf32, #tpu.memory_space<vmem>>, vector<1x32x128xf32>,
    %slice3A_98 = vector.extract_strided_slice %transpose3A_90 {offsets = [32, 0], sizes = [32, 128], strides = [1, 1]} : vector<128x128xf32> to vector<32x128xf32>
    %swap3A_99 = arith.constant 13 : index
    %swap3A_100 = arith.constant 0 : index
    %swap3A_101 = arith.constant 0 : index
    %swap3A_102 = vector.load %arg2[%swap3A_99, %swap3A_100, %swap3A_101] : memref<100x32x128xf32, #tpu.memory_space<vmem>>, vector<1x32x128xf32>
    %swap3A_103 = vector.shape_cast %swap3A_102 : vector<1x32x128xf32> to vector<32x128xf32>
    %swap3A_104 = vector.shape_cast %slice3A_98 : vector<32x128xf32> to vector<1x32x128xf32>
    tpu.vector_store %arg2[%swap3A_99, %swap3A_100, %swap3A_101], %swap3A_104 {strides = array<i32>} : memref<100x32x128xf32, #tpu.memory_space<vmem>>, vector<1x32x128xf32>,
    %slice3A_105 = vector.extract_strided_slice %transpose3A_90 {offsets = [64, 0], sizes = [32, 128], strides = [1, 1]} : vector<128x128xf32> to vector<32x128xf32>
    %swap3A_106 = arith.constant 14 : index
    %swap3A_107 = arith.constant 0 : index
    %swap3A_108 = arith.constant 0 : index
    %swap3A_109 = vector.load %arg2[%swap3A_106, %swap3A_107, %swap3A_108] : memref<100x32x128xf32, #tpu.memory_space<vmem>>, vector<1x32x128xf32>
    %swap3A_110 = vector.shape_cast %swap3A_109 : vector<1x32x128xf32> to vector<32x128xf32>
    %swap3A_111 = vector.shape_cast %slice3A_105 : vector<32x128xf32> to vector<1x32x128xf32>
    tpu.vector_store %arg2[%swap3A_106, %swap3A_107, %swap3A_108], %swap3A_111 {strides = array<i32>} : memref<100x32x128xf32, #tpu.memory_space<vmem>>, vector<1x32x128xf32>,
    %slice3A_112 = vector.extract_strided_slice %transpose3A_90 {offsets = [96, 0], sizes = [32, 128], strides = [1, 1]} : vector<128x128xf32> to vector<32x128xf32>
    %swap3A_113 = arith.constant 15 : index
    %swap3A_114 = arith.constant 0 : index
    %swap3A_115 = arith.constant 0 : index
    %swap3A_116 = vector.load %arg2[%swap3A_113, %swap3A_114, %swap3A_115] : memref<100x32x128xf32, #tpu.memory_space<vmem>>, vector<1x32x128xf32>
    %swap3A_117 = vector.shape_cast %swap3A_116 : vector<1x32x128xf32> to vector<32x128xf32>
    %swap3A_118 = vector.shape_cast %slice3A_112 : vector<32x128xf32> to vector<1x32x128xf32>
    tpu.vector_store %arg2[%swap3A_113, %swap3A_114, %swap3A_115], %swap3A_118 {strides = array<i32>} : memref<100x32x128xf32, #tpu.memory_space<vmem>>, vector<1x32x128xf32>,
    %slice3A_119 = vector.extract_strided_slice %get3A_1 {offsets = [0, 512], sizes = [128, 128], strides = [1, 1]} : vector<128x3200xf32> to vector<128x128xf32>
    %transpose3A_120 = tpu.transpose %slice3A_119, [1, 0] : vector<128x128xf32> -> vector<128x128xf32>
    %slice3A_121 = vector.extract_strided_slice %transpose3A_120 {offsets = [0, 0], sizes = [32, 128], strides = [1, 1]} : vector<128x128xf32> to vector<32x128xf32>
    %swap3A_122 = arith.constant 16 : index
    %swap3A_123 = arith.constant 0 : index
    %swap3A_124 = arith.constant 0 : index
    %swap3A_125 = vector.load %arg2[%swap3A_122, %swap3A_123, %swap3A_124] : memref<100x32x128xf32, #tpu.memory_space<vmem>>, vector<1x32x128xf32>
    %swap3A_126 = vector.shape_cast %swap3A_125 : vector<1x32x128xf32> to vector<32x128xf32>
    %swap3A_127 = vector.shape_cast %slice3A_121 : vector<32x128xf32> to vector<1x32x128xf32>
    tpu.vector_store %arg2[%swap3A_122, %swap3A_123, %swap3A_124], %swap3A_127 {strides = array<i32>} : memref<100x32x128xf32, #tpu.memory_space<vmem>>, vector<1x32x128xf32>,
    %slice3A_128 = vector.extract_strided_slice %transpose3A_120 {offsets = [32, 0], sizes = [32, 128], strides = [1, 1]} : vector<128x128xf32> to vector<32x128xf32>
    %swap3A_129 = arith.constant 17 : index
    %swap3A_130 = arith.constant 0 : index
    %swap3A_131 = arith.constant 0 : index
    %swap3A_132 = vector.load %arg2[%swap3A_129, %swap3A_130, %swap3A_131] : memref<100x32x128xf32, #tpu.memory_space<vmem>>, vector<1x32x128xf32>
    %swap3A_133 = vector.shape_cast %swap3A_132 : vector<1x32x128xf32> to vector<32x128xf32>
    %swap3A_134 = vector.shape_cast %slice3A_128 : vector<32x128xf32> to vector<1x32x128xf32>
    tpu.vector_store %arg2[%swap3A_129, %swap3A_130, %swap3A_131], %swap3A_134 {strides = array<i32>} : memref<100x32x128xf32, #tpu.memory_space<vmem>>, vector<1x32x128xf32>,
    %slice3A_135 = vector.extract_strided_slice %transpose3A_120 {offsets = [64, 0], sizes = [32, 128], strides = [1, 1]} : vector<128x128xf32> to vector<32x128xf32>
    %swap3A_136 = arith.constant 18 : index
    %swap3A_137 = arith.constant 0 : index
    %swap3A_138 = arith.constant 0 : index
    %swap3A_139 = vector.load %arg2[%swap3A_136, %swap3A_137, %swap3A_138] : memref<100x32x128xf32, #tpu.memory_space<vmem>>, vector<1x32x128xf32>
    %swap3A_140 = vector.shape_cast %swap3A_139 : vector<1x32x128xf32> to vector<32x128xf32>
    %swap3A_141 = vector.shape_cast %slice3A_135 : vector<32x128xf32> to vector<1x32x128xf32>
    tpu.vector_store %arg2[%swap3A_136, %swap3A_137, %swap3A_138], %swap3A_141 {strides = array<i32>} : memref<100x32x128xf32, #tpu.memory_space<vmem>>, vector<1x32x128xf32>,
    %slice3A_142 = vector.extract_strided_slice %transpose3A_120 {offsets = [96, 0], sizes = [32, 128], strides = [1, 1]} : vector<128x128xf32> to vector<32x128xf32>
    %swap3A_143 = arith.constant 19 : index
    %swap3A_144 = arith.constant 0 : index
    %swap3A_145 = arith.constant 0 : index
    %swap3A_146 = vector.load %arg2[%swap3A_143, %swap3A_144, %swap3A_145] : memref<100x32x128xf32, #tpu.memory_space<vmem>>, vector<1x32x128xf32>
    %swap3A_147 = vector.shape_cast %swap3A_146 : vector<1x32x128xf32> to vector<32x128xf32>
    %swap3A_148 = vector.shape_cast %slice3A_142 : vector<32x128xf32> to vector<1x32x128xf32>
    tpu.vector_store %arg2[%swap3A_143, %swap3A_144, %swap3A_145], %swap3A_148 {strides = array<i32>} : memref<100x32x128xf32, #tpu.memory_space<vmem>>, vector<1x32x128xf32>,
    %slice3A_149 = vector.extract_strided_slice %get3A_1 {offsets = [0, 640], sizes = [128, 128], strides = [1, 1]} : vector<128x3200xf32> to vector<128x128xf32>
    %transpose3A_150 = tpu.transpose %slice3A_149, [1, 0] : vector<128x128xf32> -> vector<128x128xf32>
    %slice3A_151 = vector.extract_strided_slice %transpose3A_150 {offsets = [0, 0], sizes = [32, 128], strides = [1, 1]} : vector<128x128xf32> to vector<32x128xf32>
    %swap3A_152 = arith.constant 20 : index
    %swap3A_153 = arith.constant 0 : index
    %swap3A_154 = arith.constant 0 : index
    %swap3A_155 = vector.load %arg2[%swap3A_152, %swap3A_153, %swap3A_154] : memref<100x32x128xf32, #tpu.memory_space<vmem>>, vector<1x32x128xf32>
    %swap3A_156 = vector.shape_cast %swap3A_155 : vector<1x32x128xf32> to vector<32x128xf32>
    %swap3A_157 = vector.shape_cast %slice3A_151 : vector<32x128xf32> to vector<1x32x128xf32>
    tpu.vector_store %arg2[%swap3A_152, %swap3A_153, %swap3A_154], %swap3A_157 {strides = array<i32>} : memref<100x32x128xf32, #tpu.memory_space<vmem>>, vector<1x32x128xf32>,
    %slice3A_158 = vector.extract_strided_slice %transpose3A_150 {offsets = [32, 0], sizes = [32, 128], strides = [1, 1]} : vector<128x128xf32> to vector<32x128xf32>
    %swap3A_159 = arith.constant 21 : index
    %swap3A_160 = arith.constant 0 : index
    %swap3A_161 = arith.constant 0 : index
    %swap3A_162 = vector.load %arg2[%swap3A_159, %swap3A_160, %swap3A_161] : memref<100x32x128xf32, #tpu.memory_space<vmem>>, vector<1x32x128xf32>
    %swap3A_163 = vector.shape_cast %swap3A_162 : vector<1x32x128xf32> to vector<32x128xf32>
    %swap3A_164 = vector.shape_cast %slice3A_158 : vector<32x128xf32> to vector<1x32x128xf32>
    tpu.vector_store %arg2[%swap3A_159, %swap3A_160, %swap3A_161], %swap3A_164 {strides = array<i32>} : memref<100x32x128xf32, #tpu.memory_space<vmem>>, vector<1x32x128xf32>,
    %slice3A_165 = vector.extract_strided_slice %transpose3A_150 {offsets = [64, 0], sizes = [32, 128], strides = [1, 1]} : vector<128x128xf32> to vector<32x128xf32>
    %swap3A_166 = arith.constant 22 : index
    %swap3A_167 = arith.constant 0 : index
    %swap3A_168 = arith.constant 0 : index
    %swap3A_169 = vector.load %arg2[%swap3A_166, %swap3A_167, %swap3A_168] : memref<100x32x128xf32, #tpu.memory_space<vmem>>, vector<1x32x128xf32>
    %swap3A_170 = vector.shape_cast %swap3A_169 : vector<1x32x128xf32> to vector<32x128xf32>
    %swap3A_171 = vector.shape_cast %slice3A_165 : vector<32x128xf32> to vector<1x32x128xf32>
    tpu.vector_store %arg2[%swap3A_166, %swap3A_167, %swap3A_168], %swap3A_171 {strides = array<i32>} : memref<100x32x128xf32, #tpu.memory_space<vmem>>, vector<1x32x128xf32>,
    %slice3A_172 = vector.extract_strided_slice %transpose3A_150 {offsets = [96, 0], sizes = [32, 128], strides = [1, 1]} : vector<128x128xf32> to vector<32x128xf32>
    %swap3A_173 = arith.constant 23 : index
    %swap3A_174 = arith.constant 0 : index
    %swap3A_175 = arith.constant 0 : index
    %swap3A_176 = vector.load %arg2[%swap3A_173, %swap3A_174, %swap3A_175] : memref<100x32x128xf32, #tpu.memory_space<vmem>>, vector<1x32x128xf32>
    %swap3A_177 = vector.shape_cast %swap3A_176 : vector<1x32x128xf32> to vector<32x128xf32>
    %swap3A_178 = vector.shape_cast %slice3A_172 : vector<32x128xf32> to vector<1x32x128xf32>
    tpu.vector_store %arg2[%swap3A_173, %swap3A_174, %swap3A_175], %swap3A_178 {strides = array<i32>} : memref<100x32x128xf32, #tpu.memory_space<vmem>>, vector<1x32x128xf32>,
    %slice3A_179 = vector.extract_strided_slice %get3A_1 {offsets = [0, 768], sizes = [128, 128], strides = [1, 1]} : vector<128x3200xf32> to vector<128x128xf32>
    %transpose3A_180 = tpu.transpose %slice3A_179, [1, 0] : vector<128x128xf32> -> vector<128x128xf32>
    %slice3A_181 = vector.extract_strided_slice %transpose3A_180 {offsets = [0, 0], sizes = [32, 128], strides = [1, 1]} : vector<128x128xf32> to vector<32x128xf32>
    %swap3A_182 = arith.constant 24 : index
    %swap3A_183 = arith.constant 0 : index
    %swap3A_184 = arith.constant 0 : index
    %swap3A_185 = vector.load %arg2[%swap3A_182, %swap3A_183, %swap3A_184] : memref<100x32x128xf32, #tpu.memory_space<vmem>>, vector<1x32x128xf32>
    %swap3A_186 = vector.shape_cast %swap3A_185 : vector<1x32x128xf32> to vector<32x128xf32>
    %swap3A_187 = vector.shape_cast %slice3A_181 : vector<32x128xf32> to vector<1x32x128xf32>
    tpu.vector_store %arg2[%swap3A_182, %swap3A_183, %swap3A_184], %swap3A_187 {strides = array<i32>} : memref<100x32x128xf32, #tpu.memory_space<vmem>>, vector<1x32x128xf32>,
    %slice3A_188 = vector.extract_strided_slice %transpose3A_180 {offsets = [32, 0], sizes = [32, 128], strides = [1, 1]} : vector<128x128xf32> to vector<32x128xf32>
    %swap3A_189 = arith.constant 25 : index
    %swap3A_190 = arith.constant 0 : index
    %swap3A_191 = arith.constant 0 : index
    %swap3A_192 = vector.load %arg2[%swap3A_189, %swap3A_190, %swap3A_191] : memref<100x32x128xf32, #tpu.memory_space<vmem>>, vector<1x32x128xf32>
    %swap3A_193 = vector.shape_cast %swap3A_192 : vector<1x32x128xf32> to vector<32x128xf32>
    %swap3A_194 = vector.shape_cast %slice3A_188 : vector<32x128xf32> to vector<1x32x128xf32>
    tpu.vector_store %arg2[%swap3A_189, %swap3A_190, %swap3A_191], %swap3A_194 {strides = array<i32>} : memref<100x32x128xf32, #tpu.memory_space<vmem>>, vector<1x32x128xf32>,
    %slice3A_195 = vector.extract_strided_slice %transpose3A_180 {offsets = [64, 0], sizes = [32, 128], strides = [1, 1]} : vector<128x128xf32> to vector<32x128xf32>
    %swap3A_196 = arith.constant 26 : index
    %swap3A_197 = arith.constant 0 : index
    %swap3A_198 = arith.constant 0 : index
    %swap3A_199 = vector.load %arg2[%swap3A_196, %swap3A_197, %swap3A_198] : memref<100x32x128xf32, #tpu.memory_space<vmem>>, vector<1x32x128xf32>
    %swap3A_200 = vector.shape_cast %swap3A_199 : vector<1x32x128xf32> to vector<32x128xf32>
    %swap3A_201 = vector.shape_cast %slice3A_195 : vector<32x128xf32> to vector<1x32x128xf32>
    tpu.vector_store %arg2[%swap3A_196, %swap3A_197, %swap3A_198], %swap3A_201 {strides = array<i32>} : memref<100x32x128xf32, #tpu.memory_space<vmem>>, vector<1x32x128xf32>,
    %slice3A_202 = vector.extract_strided_slice %transpose3A_180 {offsets = [96, 0], sizes = [32, 128], strides = [1, 1]} : vector<128x128xf32> to vector<32x128xf32>
    %swap3A_203 = arith.constant 27 : index
    %swap3A_204 = arith.constant 0 : index
    %swap3A_205 = arith.constant 0 : index
    %swap3A_206 = vector.load %arg2[%swap3A_203, %swap3A_204, %swap3A_205] : memref<100x32x128xf32, #tpu.memory_space<vmem>>, vector<1x32x128xf32>
    %swap3A_207 = vector.shape_cast %swap3A_206 : vector<1x32x128xf32> to vector<32x128xf32>
    %swap3A_208 = vector.shape_cast %slice3A_202 : vector<32x128xf32> to vector<1x32x128xf32>
    tpu.vector_store %arg2[%swap3A_203, %swap3A_204, %swap3A_205], %swap3A_208 {strides = array<i32>} : memref<100x32x128xf32, #tpu.memory_space<vmem>>, vector<1x32x128xf32>,
    %slice3A_209 = vector.extract_strided_slice %get3A_1 {offsets = [0, 896], sizes = [128, 128], strides = [1, 1]} : vector<128x3200xf32> to vector<128x128xf32>
    %transpose3A_210 = tpu.transpose %slice3A_209, [1, 0] : vector<128x128xf32> -> vector<128x128xf32>
    %slice3A_211 = vector.extract_strided_slice %transpose3A_210 {offsets = [0, 0], sizes = [32, 128], strides = [1, 1]} : vector<128x128xf32> to vector<32x128xf32>
    %swap3A_212 = arith.constant 28 : index
    %swap3A_213 = arith.constant 0 : index
    %swap3A_214 = arith.constant 0 : index
    %swap3A_215 = vector.load %arg2[%swap3A_212, %swap3A_213, %swap3A_214] : memref<100x32x128xf32, #tpu.memory_space<vmem>>, vector<1x32x128xf32>
    %swap3A_216 = vector.shape_cast %swap3A_215 : vector<1x32x128xf32> to vector<32x128xf32>
    %swap3A_217 = vector.shape_cast %slice3A_211 : vector<32x128xf32> to vector<1x32x128xf32>
    tpu.vector_store %arg2[%swap3A_212, %swap3A_213, %swap3A_214], %swap3A_217 {strides = array<i32>} : memref<100x32x128xf32, #tpu.memory_space<vmem>>, vector<1x32x128xf32>,
    %slice3A_218 = vector.extract_strided_slice %transpose3A_210 {offsets = [32, 0], sizes = [32, 128], strides = [1, 1]} : vector<128x128xf32> to vector<32x128xf32>
    %swap3A_219 = arith.constant 29 : index
    %swap3A_220 = arith.constant 0 : index
    %swap3A_221 = arith.constant 0 : index
    %swap3A_222 = vector.load %arg2[%swap3A_219, %swap3A_220, %swap3A_221] : memref<100x32x128xf32, #tpu.memory_space<vmem>>, vector<1x32x128xf32>
    %swap3A_223 = vector.shape_cast %swap3A_222 : vector<1x32x128xf32> to vector<32x128xf32>
    %swap3A_224 = vector.shape_cast %slice3A_218 : vector<32x128xf32> to vector<1x32x128xf32>
    tpu.vector_store %arg2[%swap3A_219, %swap3A_220, %swap3A_221], %swap3A_224 {strides = array<i32>} : memref<100x32x128xf32, #tpu.memory_space<vmem>>, vector<1x32x128xf32>,
    %slice3A_225 = vector.extract_strided_slice %transpose3A_210 {offsets = [64, 0], sizes = [32, 128], strides = [1, 1]} : vector<128x128xf32> to vector<32x128xf32>
    %swap3A_226 = arith.constant 30 : index
    %swap3A_227 = arith.constant 0 : index
    %swap3A_228 = arith.constant 0 : index
    %swap3A_229 = vector.load %arg2[%swap3A_226, %swap3A_227, %swap3A_228] : memref<100x32x128xf32, #tpu.memory_space<vmem>>, vector<1x32x128xf32>
    %swap3A_230 = vector.shape_cast %swap3A_229 : vector<1x32x128xf32> to vector<32x128xf32>
    %swap3A_231 = vector.shape_cast %slice3A_225 : vector<32x128xf32> to vector<1x32x128xf32>
    tpu.vector_store %arg2[%swap3A_226, %swap3A_227, %swap3A_228], %swap3A_231 {strides = array<i32>} : memref<100x32x128xf32, #tpu.memory_space<vmem>>, vector<1x32x128xf32>,
    %slice3A_232 = vector.extract_strided_slice %transpose3A_210 {offsets = [96, 0], sizes = [32, 128], strides = [1, 1]} : vector<128x128xf32> to vector<32x128xf32>
    %swap3A_233 = arith.constant 31 : index
    %swap3A_234 = arith.constant 0 : index
    %swap3A_235 = arith.constant 0 : index
    %swap3A_236 = vector.load %arg2[%swap3A_233, %swap3A_234, %swap3A_235] : memref<100x32x128xf32, #tpu.memory_space<vmem>>, vector<1x32x128xf32>
    %swap3A_237 = vector.shape_cast %swap3A_236 : vector<1x32x128xf32> to vector<32x128xf32>
    %swap3A_238 = vector.shape_cast %slice3A_232 : vector<32x128xf32> to vector<1x32x128xf32>
    tpu.vector_store %arg2[%swap3A_233, %swap3A_234, %swap3A_235], %swap3A_238 {strides = array<i32>} : memref<100x32x128xf32, #tpu.memory_space<vmem>>, vector<1x32x128xf32>,
    %slice3A_239 = vector.extract_strided_slice %get3A_1 {offsets = [0, 1024], sizes = [128, 128], strides = [1, 1]} : vector<128x3200xf32> to vector<128x128xf32>
    %transpose3A_240 = tpu.transpose %slice3A_239, [1, 0] : vector<128x128xf32> -> vector<128x128xf32>
    %slice3A_241 = vector.extract_strided_slice %transpose3A_240 {offsets = [0, 0], sizes = [32, 128], strides = [1, 1]} : vector<128x128xf32> to vector<32x128xf32>
    %swap3A_242 = arith.constant 32 : index
    %swap3A_243 = arith.constant 0 : index
    %swap3A_244 = arith.constant 0 : index
    %swap3A_245 = vector.load %arg2[%swap3A_242, %swap3A_243, %swap3A_244] : memref<100x32x128xf32, #tpu.memory_space<vmem>>, vector<1x32x128xf32>
    %swap3A_246 = vector.shape_cast %swap3A_245 : vector<1x32x128xf32> to vector<32x128xf32>
    %swap3A_247 = vector.shape_cast %slice3A_241 : vector<32x128xf32> to vector<1x32x128xf32>
    tpu.vector_store %arg2[%swap3A_242, %swap3A_243, %swap3A_244], %swap3A_247 {strides = array<i32>} : memref<100x32x128xf32, #tpu.memory_space<vmem>>, vector<1x32x128xf32>,
    %slice3A_248 = vector.extract_strided_slice %transpose3A_240 {offsets = [32, 0], sizes = [32, 128], strides = [1, 1]} : vector<128x128xf32> to vector<32x128xf32>
    %swap3A_249 = arith.constant 33 : index
    %swap3A_250 = arith.constant 0 : index
    %swap3A_251 = arith.constant 0 : index
    %swap3A_252 = vector.load %arg2[%swap3A_249, %swap3A_250, %swap3A_251] : memref<100x32x128xf32, #tpu.memory_space<vmem>>, vector<1x32x128xf32>
    %swap3A_253 = vector.shape_cast %swap3A_252 : vector<1x32x128xf32> to vector<32x128xf32>
    %swap3A_254 = vector.shape_cast %slice3A_248 : vector<32x128xf32> to vector<1x32x128xf32>
    tpu.vector_store %arg2[%swap3A_249, %swap3A_250, %swap3A_251], %swap3A_254 {strides = array<i32>} : memref<100x32x128xf32, #tpu.memory_space<vmem>>, vector<1x32x128xf32>,
    %slice3A_255 = vector.extract_strided_slice %transpose3A_240 {offsets = [64, 0], sizes = [32, 128], strides = [1, 1]} : vector<128x128xf32> to vector<32x128xf32>
    %swap3A_256 = arith.constant 34 : index
    %swap3A_257 = arith.constant 0 : index
    %swap3A_258 = arith.constant 0 : index
    %swap3A_259 = vector.load %arg2[%swap3A_256, %swap3A_257, %swap3A_258] : memref<100x32x128xf32, #tpu.memory_space<vmem>>, vector<1x32x128xf32>
    %swap3A_260 = vector.shape_cast %swap3A_259 : vector<1x32x128xf32> to vector<32x128xf32>
    %swap3A_261 = vector.shape_cast %slice3A_255 : vector<32x128xf32> to vector<1x32x128xf32>
    tpu.vector_store %arg2[%swap3A_256, %swap3A_257, %swap3A_258], %swap3A_261 {strides = array<i32>} : memref<100x32x128xf32, #tpu.memory_space<vmem>>, vector<1x32x128xf32>,
    %slice3A_262 = vector.extract_strided_slice %transpose3A_240 {offsets = [96, 0], sizes = [32, 128], strides = [1, 1]} : vector<128x128xf32> to vector<32x128xf32>
    %swap3A_263 = arith.constant 35 : index
    %swap3A_264 = arith.constant 0 : index
    %swap3A_265 = arith.constant 0 : index
    %swap3A_266 = vector.load %arg2[%swap3A_263, %swap3A_264, %swap3A_265] : memref<100x32x128xf32, #tpu.memory_space<vmem>>, vector<1x32x128xf32>
    %swap3A_267 = vector.shape_cast %swap3A_266 : vector<1x32x128xf32> to vector<32x128xf32>
    %swap3A_268 = vector.shape_cast %slice3A_262 : vector<32x128xf32> to vector<1x32x128xf32>
    tpu.vector_store %arg2[%swap3A_263, %swap3A_264, %swap3A_265], %swap3A_268 {strides = array<i32>} : memref<100x32x128xf32, #tpu.memory_space<vmem>>, vector<1x32x128xf32>,
    %slice3A_269 = vector.extract_strided_slice %get3A_1 {offsets = [0, 1152], sizes = [128, 128], strides = [1, 1]} : vector<128x3200xf32> to vector<128x128xf32>
    %transpose3A_270 = tpu.transpose %slice3A_269, [1, 0] : vector<128x128xf32> -> vector<128x128xf32>
    %slice3A_271 = vector.extract_strided_slice %transpose3A_270 {offsets = [0, 0], sizes = [32, 128], strides = [1, 1]} : vector<128x128xf32> to vector<32x128xf32>
    %swap3A_272 = arith.constant 36 : index
    %swap3A_273 = arith.constant 0 : index
    %swap3A_274 = arith.constant 0 : index
    %swap3A_275 = vector.load %arg2[%swap3A_272, %swap3A_273, %swap3A_274] : memref<100x32x128xf32, #tpu.memory_space<vmem>>, vector<1x32x128xf32>
    %swap3A_276 = vector.shape_cast %swap3A_275 : vector<1x32x128xf32> to vector<32x128xf32>
    %swap3A_277 = vector.shape_cast %slice3A_271 : vector<32x128xf32> to vector<1x32x128xf32>
    tpu.vector_store %arg2[%swap3A_272, %swap3A_273, %swap3A_274], %swap3A_277 {strides = array<i32>} : memref<100x32x128xf32, #tpu.memory_space<vmem>>, vector<1x32x128xf32>,
    %slice3A_278 = vector.extract_strided_slice %transpose3A_270 {offsets = [32, 0], sizes = [32, 128], strides = [1, 1]} : vector<128x128xf32> to vector<32x128xf32>
    %swap3A_279 = arith.constant 37 : index
    %swap3A_280 = arith.constant 0 : index
    %swap3A_281 = arith.constant 0 : index
    %swap3A_282 = vector.load %arg2[%swap3A_279, %swap3A_280, %swap3A_281] : memref<100x32x128xf32, #tpu.memory_space<vmem>>, vector<1x32x128xf32>
    %swap3A_283 = vector.shape_cast %swap3A_282 : vector<1x32x128xf32> to vector<32x128xf32>
    %swap3A_284 = vector.shape_cast %slice3A_278 : vector<32x128xf32> to vector<1x32x128xf32>
    tpu.vector_store %arg2[%swap3A_279, %swap3A_280, %swap3A_281], %swap3A_284 {strides = array<i32>} : memref<100x32x128xf32, #tpu.memory_space<vmem>>, vector<1x32x128xf32>,
    %slice3A_285 = vector.extract_strided_slice %transpose3A_270 {offsets = [64, 0], sizes = [32, 128], strides = [1, 1]} : vector<128x128xf32> to vector<32x128xf32>
    %swap3A_286 = arith.constant 38 : index
    %swap3A_287 = arith.constant 0 : index
    %swap3A_288 = arith.constant 0 : index
    %swap3A_289 = vector.load %arg2[%swap3A_286, %swap3A_287, %swap3A_288] : memref<100x32x128xf32, #tpu.memory_space<vmem>>, vector<1x32x128xf32>
    %swap3A_290 = vector.shape_cast %swap3A_289 : vector<1x32x128xf32> to vector<32x128xf32>
    %swap3A_291 = vector.shape_cast %slice3A_285 : vector<32x128xf32> to vector<1x32x128xf32>
    tpu.vector_store %arg2[%swap3A_286, %swap3A_287, %swap3A_288], %swap3A_291 {strides = array<i32>} : memref<100x32x128xf32, #tpu.memory_space<vmem>>, vector<1x32x128xf32>,
    %slice3A_292 = vector.extract_strided_slice %transpose3A_270 {offsets = [96, 0], sizes = [32, 128], strides = [1, 1]} : vector<128x128xf32> to vector<32x128xf32>
    %swap3A_293 = arith.constant 39 : index
    %swap3A_294 = arith.constant 0 : index
    %swap3A_295 = arith.constant 0 : index
    %swap3A_296 = vector.load %arg2[%swap3A_293, %swap3A_294, %swap3A_295] : memref<100x32x128xf32, #tpu.memory_space<vmem>>, vector<1x32x128xf32>
    %swap3A_297 = vector.shape_cast %swap3A_296 : vector<1x32x128xf32> to vector<32x128xf32>
    %swap3A_298 = vector.shape_cast %slice3A_292 : vector<32x128xf32> to vector<1x32x128xf32>
    tpu.vector_store %arg2[%swap3A_293, %swap3A_294, %swap3A_295], %swap3A_298 {strides = array<i32>} : memref<100x32x128xf32, #tpu.memory_space<vmem>>, vector<1x32x128xf32>,
    %slice3A_299 = vector.extract_strided_slice %get3A_1 {offsets = [0, 1280], sizes = [128, 128], strides = [1, 1]} : vector<128x3200xf32> to vector<128x128xf32>
    %transpose3A_300 = tpu.transpose %slice3A_299, [1, 0] : vector<128x128xf32> -> vector<128x128xf32>
    %slice3A_301 = vector.extract_strided_slice %transpose3A_300 {offsets = [0, 0], sizes = [32, 128], strides = [1, 1]} : vector<128x128xf32> to vector<32x128xf32>
    %swap3A_302 = arith.constant 40 : index
    %swap3A_303 = arith.constant 0 : index
    %swap3A_304 = arith.constant 0 : index
    %swap3A_305 = vector.load %arg2[%swap3A_302, %swap3A_303, %swap3A_304] : memref<100x32x128xf32, #tpu.memory_space<vmem>>, vector<1x32x128xf32>
    %swap3A_306 = vector.shape_cast %swap3A_305 : vector<1x32x128xf32> to vector<32x128xf32>
    %swap3A_307 = vector.shape_cast %slice3A_301 : vector<32x128xf32> to vector<1x32x128xf32>
    tpu.vector_store %arg2[%swap3A_302, %swap3A_303, %swap3A_304], %swap3A_307 {strides = array<i32>} : memref<100x32x128xf32, #tpu.memory_space<vmem>>, vector<1x32x128xf32>,
    %slice3A_308 = vector.extract_strided_slice %transpose3A_300 {offsets = [32, 0], sizes = [32, 128], strides = [1, 1]} : vector<128x128xf32> to vector<32x128xf32>
    %swap3A_309 = arith.constant 41 : index
    %swap3A_310 = arith.constant 0 : index
    %swap3A_311 = arith.constant 0 : index
    %swap3A_312 = vector.load %arg2[%swap3A_309, %swap3A_310, %swap3A_311] : memref<100x32x128xf32, #tpu.memory_space<vmem>>, vector<1x32x128xf32>
    %swap3A_313 = vector.shape_cast %swap3A_312 : vector<1x32x128xf32> to vector<32x128xf32>
    %swap3A_314 = vector.shape_cast %slice3A_308 : vector<32x128xf32> to vector<1x32x128xf32>
    tpu.vector_store %arg2[%swap3A_309, %swap3A_310, %swap3A_311], %swap3A_314 {strides = array<i32>} : memref<100x32x128xf32, #tpu.memory_space<vmem>>, vector<1x32x128xf32>,
    %slice3A_315 = vector.extract_strided_slice %transpose3A_300 {offsets = [64, 0], sizes = [32, 128], strides = [1, 1]} : vector<128x128xf32> to vector<32x128xf32>
    %swap3A_316 = arith.constant 42 : index
    %swap3A_317 = arith.constant 0 : index
    %swap3A_318 = arith.constant 0 : index
    %swap3A_319 = vector.load %arg2[%swap3A_316, %swap3A_317, %swap3A_318] : memref<100x32x128xf32, #tpu.memory_space<vmem>>, vector<1x32x128xf32>
    %swap3A_320 = vector.shape_cast %swap3A_319 : vector<1x32x128xf32> to vector<32x128xf32>
    %swap3A_321 = vector.shape_cast %slice3A_315 : vector<32x128xf32> to vector<1x32x128xf32>
    tpu.vector_store %arg2[%swap3A_316, %swap3A_317, %swap3A_318], %swap3A_321 {strides = array<i32>} : memref<100x32x128xf32, #tpu.memory_space<vmem>>, vector<1x32x128xf32>,
    %slice3A_322 = vector.extract_strided_slice %transpose3A_300 {offsets = [96, 0], sizes = [32, 128], strides = [1, 1]} : vector<128x128xf32> to vector<32x128xf32>
    %swap3A_323 = arith.constant 43 : index
    %swap3A_324 = arith.constant 0 : index
    %swap3A_325 = arith.constant 0 : index
    %swap3A_326 = vector.load %arg2[%swap3A_323, %swap3A_324, %swap3A_325] : memref<100x32x128xf32, #tpu.memory_space<vmem>>, vector<1x32x128xf32>
    %swap3A_327 = vector.shape_cast %swap3A_326 : vector<1x32x128xf32> to vector<32x128xf32>
    %swap3A_328 = vector.shape_cast %slice3A_322 : vector<32x128xf32> to vector<1x32x128xf32>
    tpu.vector_store %arg2[%swap3A_323, %swap3A_324, %swap3A_325], %swap3A_328 {strides = array<i32>} : memref<100x32x128xf32, #tpu.memory_space<vmem>>, vector<1x32x128xf32>,
    %slice3A_329 = vector.extract_strided_slice %get3A_1 {offsets = [0, 1408], sizes = [128, 128], strides = [1, 1]} : vector<128x3200xf32> to vector<128x128xf32>
    %transpose3A_330 = tpu.transpose %slice3A_329, [1, 0] : vector<128x128xf32> -> vector<128x128xf32>
    %slice3A_331 = vector.extract_strided_slice %transpose3A_330 {offsets = [0, 0], sizes = [32, 128], strides = [1, 1]} : vector<128x128xf32> to vector<32x128xf32>
    %swap3A_332 = arith.constant 44 : index
    %swap3A_333 = arith.constant 0 : index
    %swap3A_334 = arith.constant 0 : index
    %swap3A_335 = vector.load %arg2[%swap3A_332, %swap3A_333, %swap3A_334] : memref<100x32x128xf32, #tpu.memory_space<vmem>>, vector<1x32x128xf32>
    %swap3A_336 = vector.shape_cast %swap3A_335 : vector<1x32x128xf32> to vector<32x128xf32>
    %swap3A_337 = vector.shape_cast %slice3A_331 : vector<32x128xf32> to vector<1x32x128xf32>
    tpu.vector_store %arg2[%swap3A_332, %swap3A_333, %swap3A_334], %swap3A_337 {strides = array<i32>} : memref<100x32x128xf32, #tpu.memory_space<vmem>>, vector<1x32x128xf32>,
    %slice3A_338 = vector.extract_strided_slice %transpose3A_330 {offsets = [32, 0], sizes = [32, 128], strides = [1, 1]} : vector<128x128xf32> to vector<32x128xf32>
    %swap3A_339 = arith.constant 45 : index
    %swap3A_340 = arith.constant 0 : index
    %swap3A_341 = arith.constant 0 : index
    %swap3A_342 = vector.load %arg2[%swap3A_339, %swap3A_340, %swap3A_341] : memref<100x32x128xf32, #tpu.memory_space<vmem>>, vector<1x32x128xf32>
    %swap3A_343 = vector.shape_cast %swap3A_342 : vector<1x32x128xf32> to vector<32x128xf32>
    %swap3A_344 = vector.shape_cast %slice3A_338 : vector<32x128xf32> to vector<1x32x128xf32>
    tpu.vector_store %arg2[%swap3A_339, %swap3A_340, %swap3A_341], %swap3A_344 {strides = array<i32>} : memref<100x32x128xf32, #tpu.memory_space<vmem>>, vector<1x32x128xf32>,
    %slice3A_345 = vector.extract_strided_slice %transpose3A_330 {offsets = [64, 0], sizes = [32, 128], strides = [1, 1]} : vector<128x128xf32> to vector<32x128xf32>
    %swap3A_346 = arith.constant 46 : index
    %swap3A_347 = arith.constant 0 : index
    %swap3A_348 = arith.constant 0 : index
    %swap3A_349 = vector.load %arg2[%swap3A_346, %swap3A_347, %swap3A_348] : memref<100x32x128xf32, #tpu.memory_space<vmem>>, vector<1x32x128xf32>
    %swap3A_350 = vector.shape_cast %swap3A_349 : vector<1x32x128xf32> to vector<32x128xf32>
    %swap3A_351 = vector.shape_cast %slice3A_345 : vector<32x128xf32> to vector<1x32x128xf32>
    tpu.vector_store %arg2[%swap3A_346, %swap3A_347, %swap3A_348], %swap3A_351 {strides = array<i32>} : memref<100x32x128xf32, #tpu.memory_space<vmem>>, vector<1x32x128xf32>,
    %slice3A_352 = vector.extract_strided_slice %transpose3A_330 {offsets = [96, 0], sizes = [32, 128], strides = [1, 1]} : vector<128x128xf32> to vector<32x128xf32>
    %swap3A_353 = arith.constant 47 : index
    %swap3A_354 = arith.constant 0 : index
    %swap3A_355 = arith.constant 0 : index
    %swap3A_356 = vector.load %arg2[%swap3A_353, %swap3A_354, %swap3A_355] : memref<100x32x128xf32, #tpu.memory_space<vmem>>, vector<1x32x128xf32>
    %swap3A_357 = vector.shape_cast %swap3A_356 : vector<1x32x128xf32> to vector<32x128xf32>
    %swap3A_358 = vector.shape_cast %slice3A_352 : vector<32x128xf32> to vector<1x32x128xf32>
    tpu.vector_store %arg2[%swap3A_353, %swap3A_354, %swap3A_355], %swap3A_358 {strides = array<i32>} : memref<100x32x128xf32, #tpu.memory_space<vmem>>, vector<1x32x128xf32>,
    %slice3A_359 = vector.extract_strided_slice %get3A_1 {offsets = [0, 1536], sizes = [128, 128], strides = [1, 1]} : vector<128x3200xf32> to vector<128x128xf32>
    %transpose3A_360 = tpu.transpose %slice3A_359, [1, 0] : vector<128x128xf32> -> vector<128x128xf32>
    %slice3A_361 = vector.extract_strided_slice %transpose3A_360 {offsets = [0, 0], sizes = [32, 128], strides = [1, 1]} : vector<128x128xf32> to vector<32x128xf32>
    %swap3A_362 = arith.constant 48 : index
    %swap3A_363 = arith.constant 0 : index
    %swap3A_364 = arith.constant 0 : index
    %swap3A_365 = vector.load %arg2[%swap3A_362, %swap3A_363, %swap3A_364] : memref<100x32x128xf32, #tpu.memory_space<vmem>>, vector<1x32x128xf32>
    %swap3A_366 = vector.shape_cast %swap3A_365 : vector<1x32x128xf32> to vector<32x128xf32>
    %swap3A_367 = vector.shape_cast %slice3A_361 : vector<32x128xf32> to vector<1x32x128xf32>
    tpu.vector_store %arg2[%swap3A_362, %swap3A_363, %swap3A_364], %swap3A_367 {strides = array<i32>} : memref<100x32x128xf32, #tpu.memory_space<vmem>>, vector<1x32x128xf32>,
    %slice3A_368 = vector.extract_strided_slice %transpose3A_360 {offsets = [32, 0], sizes = [32, 128], strides = [1, 1]} : vector<128x128xf32> to vector<32x128xf32>
    %swap3A_369 = arith.constant 49 : index
    %swap3A_370 = arith.constant 0 : index
    %swap3A_371 = arith.constant 0 : index
    %swap3A_372 = vector.load %arg2[%swap3A_369, %swap3A_370, %swap3A_371] : memref<100x32x128xf32, #tpu.memory_space<vmem>>, vector<1x32x128xf32>
    %swap3A_373 = vector.shape_cast %swap3A_372 : vector<1x32x128xf32> to vector<32x128xf32>
    %swap3A_374 = vector.shape_cast %slice3A_368 : vector<32x128xf32> to vector<1x32x128xf32>
    tpu.vector_store %arg2[%swap3A_369, %swap3A_370, %swap3A_371], %swap3A_374 {strides = array<i32>} : memref<100x32x128xf32, #tpu.memory_space<vmem>>, vector<1x32x128xf32>,
    %slice3A_375 = vector.extract_strided_slice %transpose3A_360 {offsets = [64, 0], sizes = [32, 128], strides = [1, 1]} : vector<128x128xf32> to vector<32x128xf32>
    %swap3A_376 = arith.constant 50 : index
    %swap3A_377 = arith.constant 0 : index
    %swap3A_378 = arith.constant 0 : index
    %swap3A_379 = vector.load %arg2[%swap3A_376, %swap3A_377, %swap3A_378] : memref<100x32x128xf32, #tpu.memory_space<vmem>>, vector<1x32x128xf32>
    %swap3A_380 = vector.shape_cast %swap3A_379 : vector<1x32x128xf32> to vector<32x128xf32>
    %swap3A_381 = vector.shape_cast %slice3A_375 : vector<32x128xf32> to vector<1x32x128xf32>
    tpu.vector_store %arg2[%swap3A_376, %swap3A_377, %swap3A_378], %swap3A_381 {strides = array<i32>} : memref<100x32x128xf32, #tpu.memory_space<vmem>>, vector<1x32x128xf32>,
    %slice3A_382 = vector.extract_strided_slice %transpose3A_360 {offsets = [96, 0], sizes = [32, 128], strides = [1, 1]} : vector<128x128xf32> to vector<32x128xf32>
    %swap3A_383 = arith.constant 51 : index
    %swap3A_384 = arith.constant 0 : index
    %swap3A_385 = arith.constant 0 : index
    %swap3A_386 = vector.load %arg2[%swap3A_383, %swap3A_384, %swap3A_385] : memref<100x32x128xf32, #tpu.memory_space<vmem>>, vector<1x32x128xf32>
    %swap3A_387 = vector.shape_cast %swap3A_386 : vector<1x32x128xf32> to vector<32x128xf32>
    %swap3A_388 = vector.shape_cast %slice3A_382 : vector<32x128xf32> to vector<1x32x128xf32>
    tpu.vector_store %arg2[%swap3A_383, %swap3A_384, %swap3A_385], %swap3A_388 {strides = array<i32>} : memref<100x32x128xf32, #tpu.memory_space<vmem>>, vector<1x32x128xf32>,
    %slice3A_389 = vector.extract_strided_slice %get3A_1 {offsets = [0, 1664], sizes = [128, 128], strides = [1, 1]} : vector<128x3200xf32> to vector<128x128xf32>
    %transpose3A_390 = tpu.transpose %slice3A_389, [1, 0] : vector<128x128xf32> -> vector<128x128xf32>
    %slice3A_391 = vector.extract_strided_slice %transpose3A_390 {offsets = [0, 0], sizes = [32, 128], strides = [1, 1]} : vector<128x128xf32> to vector<32x128xf32>
    %swap3A_392 = arith.constant 52 : index
    %swap3A_393 = arith.constant 0 : index
    %swap3A_394 = arith.constant 0 : index
    %swap3A_395 = vector.load %arg2[%swap3A_392, %swap3A_393, %swap3A_394] : memref<100x32x128xf32, #tpu.memory_space<vmem>>, vector<1x32x128xf32>
    %swap3A_396 = vector.shape_cast %swap3A_395 : vector<1x32x128xf32> to vector<32x128xf32>
    %swap3A_397 = vector.shape_cast %slice3A_391 : vector<32x128xf32> to vector<1x32x128xf32>
    tpu.vector_store %arg2[%swap3A_392, %swap3A_393, %swap3A_394], %swap3A_397 {strides = array<i32>} : memref<100x32x128xf32, #tpu.memory_space<vmem>>, vector<1x32x128xf32>,
    %slice3A_398 = vector.extract_strided_slice %transpose3A_390 {offsets = [32, 0], sizes = [32, 128], strides = [1, 1]} : vector<128x128xf32> to vector<32x128xf32>
    %swap3A_399 = arith.constant 53 : index
    %swap3A_400 = arith.constant 0 : index
    %swap3A_401 = arith.constant 0 : index
    %swap3A_402 = vector.load %arg2[%swap3A_399, %swap3A_400, %swap3A_401] : memref<100x32x128xf32, #tpu.memory_space<vmem>>, vector<1x32x128xf32>
    %swap3A_403 = vector.shape_cast %swap3A_402 : vector<1x32x128xf32> to vector<32x128xf32>
    %swap3A_404 = vector.shape_cast %slice3A_398 : vector<32x128xf32> to vector<1x32x128xf32>
    tpu.vector_store %arg2[%swap3A_399, %swap3A_400, %swap3A_401], %swap3A_404 {strides = array<i32>} : memref<100x32x128xf32, #tpu.memory_space<vmem>>, vector<1x32x128xf32>,
    %slice3A_405 = vector.extract_strided_slice %transpose3A_390 {offsets = [64, 0], sizes = [32, 128], strides = [1, 1]} : vector<128x128xf32> to vector<32x128xf32>
    %swap3A_406 = arith.constant 54 : index
    %swap3A_407 = arith.constant 0 : index
    %swap3A_408 = arith.constant 0 : index
    %swap3A_409 = vector.load %arg2[%swap3A_406, %swap3A_407, %swap3A_408] : memref<100x32x128xf32, #tpu.memory_space<vmem>>, vector<1x32x128xf32>
    %swap3A_410 = vector.shape_cast %swap3A_409 : vector<1x32x128xf32> to vector<32x128xf32>
    %swap3A_411 = vector.shape_cast %slice3A_405 : vector<32x128xf32> to vector<1x32x128xf32>
    tpu.vector_store %arg2[%swap3A_406, %swap3A_407, %swap3A_408], %swap3A_411 {strides = array<i32>} : memref<100x32x128xf32, #tpu.memory_space<vmem>>, vector<1x32x128xf32>,
    %slice3A_412 = vector.extract_strided_slice %transpose3A_390 {offsets = [96, 0], sizes = [32, 128], strides = [1, 1]} : vector<128x128xf32> to vector<32x128xf32>
    %swap3A_413 = arith.constant 55 : index
    %swap3A_414 = arith.constant 0 : index
    %swap3A_415 = arith.constant 0 : index
    %swap3A_416 = vector.load %arg2[%swap3A_413, %swap3A_414, %swap3A_415] : memref<100x32x128xf32, #tpu.memory_space<vmem>>, vector<1x32x128xf32>
    %swap3A_417 = vector.shape_cast %swap3A_416 : vector<1x32x128xf32> to vector<32x128xf32>
    %swap3A_418 = vector.shape_cast %slice3A_412 : vector<32x128xf32> to vector<1x32x128xf32>
    tpu.vector_store %arg2[%swap3A_413, %swap3A_414, %swap3A_415], %swap3A_418 {strides = array<i32>} : memref<100x32x128xf32, #tpu.memory_space<vmem>>, vector<1x32x128xf32>,
    %slice3A_419 = vector.extract_strided_slice %get3A_1 {offsets = [0, 1792], sizes = [128, 128], strides = [1, 1]} : vector<128x3200xf32> to vector<128x128xf32>
    %transpose3A_420 = tpu.transpose %slice3A_419, [1, 0] : vector<128x128xf32> -> vector<128x128xf32>
    %slice3A_421 = vector.extract_strided_slice %transpose3A_420 {offsets = [0, 0], sizes = [32, 128], strides = [1, 1]} : vector<128x128xf32> to vector<32x128xf32>
    %swap3A_422 = arith.constant 56 : index
    %swap3A_423 = arith.constant 0 : index
    %swap3A_424 = arith.constant 0 : index
    %swap3A_425 = vector.load %arg2[%swap3A_422, %swap3A_423, %swap3A_424] : memref<100x32x128xf32, #tpu.memory_space<vmem>>, vector<1x32x128xf32>
    %swap3A_426 = vector.shape_cast %swap3A_425 : vector<1x32x128xf32> to vector<32x128xf32>
    %swap3A_427 = vector.shape_cast %slice3A_421 : vector<32x128xf32> to vector<1x32x128xf32>
    tpu.vector_store %arg2[%swap3A_422, %swap3A_423, %swap3A_424], %swap3A_427 {strides = array<i32>} : memref<100x32x128xf32, #tpu.memory_space<vmem>>, vector<1x32x128xf32>,
    %slice3A_428 = vector.extract_strided_slice %transpose3A_420 {offsets = [32, 0], sizes = [32, 128], strides = [1, 1]} : vector<128x128xf32> to vector<32x128xf32>
    %swap3A_429 = arith.constant 57 : index
    %swap3A_430 = arith.constant 0 : index
    %swap3A_431 = arith.constant 0 : index
    %swap3A_432 = vector.load %arg2[%swap3A_429, %swap3A_430, %swap3A_431] : memref<100x32x128xf32, #tpu.memory_space<vmem>>, vector<1x32x128xf32>
    %swap3A_433 = vector.shape_cast %swap3A_432 : vector<1x32x128xf32> to vector<32x128xf32>
    %swap3A_434 = vector.shape_cast %slice3A_428 : vector<32x128xf32> to vector<1x32x128xf32>
    tpu.vector_store %arg2[%swap3A_429, %swap3A_430, %swap3A_431], %swap3A_434 {strides = array<i32>} : memref<100x32x128xf32, #tpu.memory_space<vmem>>, vector<1x32x128xf32>,
    %slice3A_435 = vector.extract_strided_slice %transpose3A_420 {offsets = [64, 0], sizes = [32, 128], strides = [1, 1]} : vector<128x128xf32> to vector<32x128xf32>
    %swap3A_436 = arith.constant 58 : index
    %swap3A_437 = arith.constant 0 : index
    %swap3A_438 = arith.constant 0 : index
    %swap3A_439 = vector.load %arg2[%swap3A_436, %swap3A_437, %swap3A_438] : memref<100x32x128xf32, #tpu.memory_space<vmem>>, vector<1x32x128xf32>
    %swap3A_440 = vector.shape_cast %swap3A_439 : vector<1x32x128xf32> to vector<32x128xf32>
    %swap3A_441 = vector.shape_cast %slice3A_435 : vector<32x128xf32> to vector<1x32x128xf32>
    tpu.vector_store %arg2[%swap3A_436, %swap3A_437, %swap3A_438], %swap3A_441 {strides = array<i32>} : memref<100x32x128xf32, #tpu.memory_space<vmem>>, vector<1x32x128xf32>,
    %slice3A_442 = vector.extract_strided_slice %transpose3A_420 {offsets = [96, 0], sizes = [32, 128], strides = [1, 1]} : vector<128x128xf32> to vector<32x128xf32>
    %swap3A_443 = arith.constant 59 : index
    %swap3A_444 = arith.constant 0 : index
    %swap3A_445 = arith.constant 0 : index
    %swap3A_446 = vector.load %arg2[%swap3A_443, %swap3A_444, %swap3A_445] : memref<100x32x128xf32, #tpu.memory_space<vmem>>, vector<1x32x128xf32>
    %swap3A_447 = vector.shape_cast %swap3A_446 : vector<1x32x128xf32> to vector<32x128xf32>
    %swap3A_448 = vector.shape_cast %slice3A_442 : vector<32x128xf32> to vector<1x32x128xf32>
    tpu.vector_store %arg2[%swap3A_443, %swap3A_444, %swap3A_445], %swap3A_448 {strides = array<i32>} : memref<100x32x128xf32, #tpu.memory_space<vmem>>, vector<1x32x128xf32>,
    %slice3A_449 = vector.extract_strided_slice %get3A_1 {offsets = [0, 1920], sizes = [128, 128], strides = [1, 1]} : vector<128x3200xf32> to vector<128x128xf32>
    %transpose3A_450 = tpu.transpose %slice3A_449, [1, 0] : vector<128x128xf32> -> vector<128x128xf32>
    %slice3A_451 = vector.extract_strided_slice %transpose3A_450 {offsets = [0, 0], sizes = [32, 128], strides = [1, 1]} : vector<128x128xf32> to vector<32x128xf32>
    %swap3A_452 = arith.constant 60 : index
    %swap3A_453 = arith.constant 0 : index
    %swap3A_454 = arith.constant 0 : index
    %swap3A_455 = vector.load %arg2[%swap3A_452, %swap3A_453, %swap3A_454] : memref<100x32x128xf32, #tpu.memory_space<vmem>>, vector<1x32x128xf32>
    %swap3A_456 = vector.shape_cast %swap3A_455 : vector<1x32x128xf32> to vector<32x128xf32>
    %swap3A_457 = vector.shape_cast %slice3A_451 : vector<32x128xf32> to vector<1x32x128xf32>
    tpu.vector_store %arg2[%swap3A_452, %swap3A_453, %swap3A_454], %swap3A_457 {strides = array<i32>} : memref<100x32x128xf32, #tpu.memory_space<vmem>>, vector<1x32x128xf32>,
    %slice3A_458 = vector.extract_strided_slice %transpose3A_450 {offsets = [32, 0], sizes = [32, 128], strides = [1, 1]} : vector<128x128xf32> to vector<32x128xf32>
    %swap3A_459 = arith.constant 61 : index
    %swap3A_460 = arith.constant 0 : index
    %swap3A_461 = arith.constant 0 : index
    %swap3A_462 = vector.load %arg2[%swap3A_459, %swap3A_460, %swap3A_461] : memref<100x32x128xf32, #tpu.memory_space<vmem>>, vector<1x32x128xf32>
    %swap3A_463 = vector.shape_cast %swap3A_462 : vector<1x32x128xf32> to vector<32x128xf32>
    %swap3A_464 = vector.shape_cast %slice3A_458 : vector<32x128xf32> to vector<1x32x128xf32>
    tpu.vector_store %arg2[%swap3A_459, %swap3A_460, %swap3A_461], %swap3A_464 {strides = array<i32>} : memref<100x32x128xf32, #tpu.memory_space<vmem>>, vector<1x32x128xf32>,
    %slice3A_465 = vector.extract_strided_slice %transpose3A_450 {offsets = [64, 0], sizes = [32, 128], strides = [1, 1]} : vector<128x128xf32> to vector<32x128xf32>
    %swap3A_466 = arith.constant 62 : index
    %swap3A_467 = arith.constant 0 : index
    %swap3A_468 = arith.constant 0 : index
    %swap3A_469 = vector.load %arg2[%swap3A_466, %swap3A_467, %swap3A_468] : memref<100x32x128xf32, #tpu.memory_space<vmem>>, vector<1x32x128xf32>
    %swap3A_470 = vector.shape_cast %swap3A_469 : vector<1x32x128xf32> to vector<32x128xf32>
    %swap3A_471 = vector.shape_cast %slice3A_465 : vector<32x128xf32> to vector<1x32x128xf32>
    tpu.vector_store %arg2[%swap3A_466, %swap3A_467, %swap3A_468], %swap3A_471 {strides = array<i32>} : memref<100x32x128xf32, #tpu.memory_space<vmem>>, vector<1x32x128xf32>,
    %slice3A_472 = vector.extract_strided_slice %transpose3A_450 {offsets = [96, 0], sizes = [32, 128], strides = [1, 1]} : vector<128x128xf32> to vector<32x128xf32>
    %swap3A_473 = arith.constant 63 : index
    %swap3A_474 = arith.constant 0 : index
    %swap3A_475 = arith.constant 0 : index
    %swap3A_476 = vector.load %arg2[%swap3A_473, %swap3A_474, %swap3A_475] : memref<100x32x128xf32, #tpu.memory_space<vmem>>, vector<1x32x128xf32>
    %swap3A_477 = vector.shape_cast %swap3A_476 : vector<1x32x128xf32> to vector<32x128xf32>
    %swap3A_478 = vector.shape_cast %slice3A_472 : vector<32x128xf32> to vector<1x32x128xf32>
    tpu.vector_store %arg2[%swap3A_473, %swap3A_474, %swap3A_475], %swap3A_478 {strides = array<i32>} : memref<100x32x128xf32, #tpu.memory_space<vmem>>, vector<1x32x128xf32>,
    %slice3A_479 = vector.extract_strided_slice %get3A_1 {offsets = [0, 2048], sizes = [128, 128], strides = [1, 1]} : vector<128x3200xf32> to vector<128x128xf32>
    %transpose3A_480 = tpu.transpose %slice3A_479, [1, 0] : vector<128x128xf32> -> vector<128x128xf32>
    %slice3A_481 = vector.extract_strided_slice %transpose3A_480 {offsets = [0, 0], sizes = [32, 128], strides = [1, 1]} : vector<128x128xf32> to vector<32x128xf32>
    %swap3A_482 = arith.constant 64 : index
    %swap3A_483 = arith.constant 0 : index
    %swap3A_484 = arith.constant 0 : index
    %swap3A_485 = vector.load %arg2[%swap3A_482, %swap3A_483, %swap3A_484] : memref<100x32x128xf32, #tpu.memory_space<vmem>>, vector<1x32x128xf32>
    %swap3A_486 = vector.shape_cast %swap3A_485 : vector<1x32x128xf32> to vector<32x128xf32>
    %swap3A_487 = vector.shape_cast %slice3A_481 : vector<32x128xf32> to vector<1x32x128xf32>
    tpu.vector_store %arg2[%swap3A_482, %swap3A_483, %swap3A_484], %swap3A_487 {strides = array<i32>} : memref<100x32x128xf32, #tpu.memory_space<vmem>>, vector<1x32x128xf32>,
    %slice3A_488 = vector.extract_strided_slice %transpose3A_480 {offsets = [32, 0], sizes = [32, 128], strides = [1, 1]} : vector<128x128xf32> to vector<32x128xf32>
    %swap3A_489 = arith.constant 65 : index
    %swap3A_490 = arith.constant 0 : index
    %swap3A_491 = arith.constant 0 : index
    %swap3A_492 = vector.load %arg2[%swap3A_489, %swap3A_490, %swap3A_491] : memref<100x32x128xf32, #tpu.memory_space<vmem>>, vector<1x32x128xf32>
    %swap3A_493 = vector.shape_cast %swap3A_492 : vector<1x32x128xf32> to vector<32x128xf32>
    %swap3A_494 = vector.shape_cast %slice3A_488 : vector<32x128xf32> to vector<1x32x128xf32>
    tpu.vector_store %arg2[%swap3A_489, %swap3A_490, %swap3A_491], %swap3A_494 {strides = array<i32>} : memref<100x32x128xf32, #tpu.memory_space<vmem>>, vector<1x32x128xf32>,
    %slice3A_495 = vector.extract_strided_slice %transpose3A_480 {offsets = [64, 0], sizes = [32, 128], strides = [1, 1]} : vector<128x128xf32> to vector<32x128xf32>
    %swap3A_496 = arith.constant 66 : index
    %swap3A_497 = arith.constant 0 : index
    %swap3A_498 = arith.constant 0 : index
    %swap3A_499 = vector.load %arg2[%swap3A_496, %swap3A_497, %swap3A_498] : memref<100x32x128xf32, #tpu.memory_space<vmem>>, vector<1x32x128xf32>
    %swap3A_500 = vector.shape_cast %swap3A_499 : vector<1x32x128xf32> to vector<32x128xf32>
    %swap3A_501 = vector.shape_cast %slice3A_495 : vector<32x128xf32> to vector<1x32x128xf32>
    tpu.vector_store %arg2[%swap3A_496, %swap3A_497, %swap3A_498], %swap3A_501 {strides = array<i32>} : memref<100x32x128xf32, #tpu.memory_space<vmem>>, vector<1x32x128xf32>,
    %slice3A_502 = vector.extract_strided_slice %transpose3A_480 {offsets = [96, 0], sizes = [32, 128], strides = [1, 1]} : vector<128x128xf32> to vector<32x128xf32>
    %swap3A_503 = arith.constant 67 : index
    %swap3A_504 = arith.constant 0 : index
    %swap3A_505 = arith.constant 0 : index
    %swap3A_506 = vector.load %arg2[%swap3A_503, %swap3A_504, %swap3A_505] : memref<100x32x128xf32, #tpu.memory_space<vmem>>, vector<1x32x128xf32>
    %swap3A_507 = vector.shape_cast %swap3A_506 : vector<1x32x128xf32> to vector<32x128xf32>
    %swap3A_508 = vector.shape_cast %slice3A_502 : vector<32x128xf32> to vector<1x32x128xf32>
    tpu.vector_store %arg2[%swap3A_503, %swap3A_504, %swap3A_505], %swap3A_508 {strides = array<i32>} : memref<100x32x128xf32, #tpu.memory_space<vmem>>, vector<1x32x128xf32>,
    %slice3A_509 = vector.extract_strided_slice %get3A_1 {offsets = [0, 2176], sizes = [128, 128], strides = [1, 1]} : vector<128x3200xf32> to vector<128x128xf32>
    %transpose3A_510 = tpu.transpose %slice3A_509, [1, 0] : vector<128x128xf32> -> vector<128x128xf32>
    %slice3A_511 = vector.extract_strided_slice %transpose3A_510 {offsets = [0, 0], sizes = [32, 128], strides = [1, 1]} : vector<128x128xf32> to vector<32x128xf32>
    %swap3A_512 = arith.constant 68 : index
    %swap3A_513 = arith.constant 0 : index
    %swap3A_514 = arith.constant 0 : index
    %swap3A_515 = vector.load %arg2[%swap3A_512, %swap3A_513, %swap3A_514] : memref<100x32x128xf32, #tpu.memory_space<vmem>>, vector<1x32x128xf32>
    %swap3A_516 = vector.shape_cast %swap3A_515 : vector<1x32x128xf32> to vector<32x128xf32>
    %swap3A_517 = vector.shape_cast %slice3A_511 : vector<32x128xf32> to vector<1x32x128xf32>
    tpu.vector_store %arg2[%swap3A_512, %swap3A_513, %swap3A_514], %swap3A_517 {strides = array<i32>} : memref<100x32x128xf32, #tpu.memory_space<vmem>>, vector<1x32x128xf32>,
    %slice3A_518 = vector.extract_strided_slice %transpose3A_510 {offsets = [32, 0], sizes = [32, 128], strides = [1, 1]} : vector<128x128xf32> to vector<32x128xf32>
    %swap3A_519 = arith.constant 69 : index
    %swap3A_520 = arith.constant 0 : index
    %swap3A_521 = arith.constant 0 : index
    %swap3A_522 = vector.load %arg2[%swap3A_519, %swap3A_520, %swap3A_521] : memref<100x32x128xf32, #tpu.memory_space<vmem>>, vector<1x32x128xf32>
    %swap3A_523 = vector.shape_cast %swap3A_522 : vector<1x32x128xf32> to vector<32x128xf32>
    %swap3A_524 = vector.shape_cast %slice3A_518 : vector<32x128xf32> to vector<1x32x128xf32>
    tpu.vector_store %arg2[%swap3A_519, %swap3A_520, %swap3A_521], %swap3A_524 {strides = array<i32>} : memref<100x32x128xf32, #tpu.memory_space<vmem>>, vector<1x32x128xf32>,
    %slice3A_525 = vector.extract_strided_slice %transpose3A_510 {offsets = [64, 0], sizes = [32, 128], strides = [1, 1]} : vector<128x128xf32> to vector<32x128xf32>
    %swap3A_526 = arith.constant 70 : index
    %swap3A_527 = arith.constant 0 : index
    %swap3A_528 = arith.constant 0 : index
    %swap3A_529 = vector.load %arg2[%swap3A_526, %swap3A_527, %swap3A_528] : memref<100x32x128xf32, #tpu.memory_space<vmem>>, vector<1x32x128xf32>
    %swap3A_530 = vector.shape_cast %swap3A_529 : vector<1x32x128xf32> to vector<32x128xf32>
    %swap3A_531 = vector.shape_cast %slice3A_525 : vector<32x128xf32> to vector<1x32x128xf32>
    tpu.vector_store %arg2[%swap3A_526, %swap3A_527, %swap3A_528], %swap3A_531 {strides = array<i32>} : memref<100x32x128xf32, #tpu.memory_space<vmem>>, vector<1x32x128xf32>,
    %slice3A_532 = vector.extract_strided_slice %transpose3A_510 {offsets = [96, 0], sizes = [32, 128], strides = [1, 1]} : vector<128x128xf32> to vector<32x128xf32>
    %swap3A_533 = arith.constant 71 : index
    %swap3A_534 = arith.constant 0 : index
    %swap3A_535 = arith.constant 0 : index
    %swap3A_536 = vector.load %arg2[%swap3A_533, %swap3A_534, %swap3A_535] : memref<100x32x128xf32, #tpu.memory_space<vmem>>, vector<1x32x128xf32>
    %swap3A_537 = vector.shape_cast %swap3A_536 : vector<1x32x128xf32> to vector<32x128xf32>
    %swap3A_538 = vector.shape_cast %slice3A_532 : vector<32x128xf32> to vector<1x32x128xf32>
    tpu.vector_store %arg2[%swap3A_533, %swap3A_534, %swap3A_535], %swap3A_538 {strides = array<i32>} : memref<100x32x128xf32, #tpu.memory_space<vmem>>, vector<1x32x128xf32>,
    %slice3A_539 = vector.extract_strided_slice %get3A_1 {offsets = [0, 2304], sizes = [128, 128], strides = [1, 1]} : vector<128x3200xf32> to vector<128x128xf32>
    %transpose3A_540 = tpu.transpose %slice3A_539, [1, 0] : vector<128x128xf32> -> vector<128x128xf32>
    %slice3A_541 = vector.extract_strided_slice %transpose3A_540 {offsets = [0, 0], sizes = [32, 128], strides = [1, 1]} : vector<128x128xf32> to vector<32x128xf32>
    %swap3A_542 = arith.constant 72 : index
    %swap3A_543 = arith.constant 0 : index
    %swap3A_544 = arith.constant 0 : index
    %swap3A_545 = vector.load %arg2[%swap3A_542, %swap3A_543, %swap3A_544] : memref<100x32x128xf32, #tpu.memory_space<vmem>>, vector<1x32x128xf32>
    %swap3A_546 = vector.shape_cast %swap3A_545 : vector<1x32x128xf32> to vector<32x128xf32>
    %swap3A_547 = vector.shape_cast %slice3A_541 : vector<32x128xf32> to vector<1x32x128xf32>
    tpu.vector_store %arg2[%swap3A_542, %swap3A_543, %swap3A_544], %swap3A_547 {strides = array<i32>} : memref<100x32x128xf32, #tpu.memory_space<vmem>>, vector<1x32x128xf32>,
    %slice3A_548 = vector.extract_strided_slice %transpose3A_540 {offsets = [32, 0], sizes = [32, 128], strides = [1, 1]} : vector<128x128xf32> to vector<32x128xf32>
    %swap3A_549 = arith.constant 73 : index
    %swap3A_550 = arith.constant 0 : index
    %swap3A_551 = arith.constant 0 : index
    %swap3A_552 = vector.load %arg2[%swap3A_549, %swap3A_550, %swap3A_551] : memref<100x32x128xf32, #tpu.memory_space<vmem>>, vector<1x32x128xf32>
    %swap3A_553 = vector.shape_cast %swap3A_552 : vector<1x32x128xf32> to vector<32x128xf32>
    %swap3A_554 = vector.shape_cast %slice3A_548 : vector<32x128xf32> to vector<1x32x128xf32>
    tpu.vector_store %arg2[%swap3A_549, %swap3A_550, %swap3A_551], %swap3A_554 {strides = array<i32>} : memref<100x32x128xf32, #tpu.memory_space<vmem>>, vector<1x32x128xf32>,
    %slice3A_555 = vector.extract_strided_slice %transpose3A_540 {offsets = [64, 0], sizes = [32, 128], strides = [1, 1]} : vector<128x128xf32> to vector<32x128xf32>
    %swap3A_556 = arith.constant 74 : index
    %swap3A_557 = arith.constant 0 : index
    %swap3A_558 = arith.constant 0 : index
    %swap3A_559 = vector.load %arg2[%swap3A_556, %swap3A_557, %swap3A_558] : memref<100x32x128xf32, #tpu.memory_space<vmem>>, vector<1x32x128xf32>
    %swap3A_560 = vector.shape_cast %swap3A_559 : vector<1x32x128xf32> to vector<32x128xf32>
    %swap3A_561 = vector.shape_cast %slice3A_555 : vector<32x128xf32> to vector<1x32x128xf32>
    tpu.vector_store %arg2[%swap3A_556, %swap3A_557, %swap3A_558], %swap3A_561 {strides = array<i32>} : memref<100x32x128xf32, #tpu.memory_space<vmem>>, vector<1x32x128xf32>,
    %slice3A_562 = vector.extract_strided_slice %transpose3A_540 {offsets = [96, 0], sizes = [32, 128], strides = [1, 1]} : vector<128x128xf32> to vector<32x128xf32>
    %swap3A_563 = arith.constant 75 : index
    %swap3A_564 = arith.constant 0 : index
    %swap3A_565 = arith.constant 0 : index
    %swap3A_566 = vector.load %arg2[%swap3A_563, %swap3A_564, %swap3A_565] : memref<100x32x128xf32, #tpu.memory_space<vmem>>, vector<1x32x128xf32>
    %swap3A_567 = vector.shape_cast %swap3A_566 : vector<1x32x128xf32> to vector<32x128xf32>
    %swap3A_568 = vector.shape_cast %slice3A_562 : vector<32x128xf32> to vector<1x32x128xf32>
    tpu.vector_store %arg2[%swap3A_563, %swap3A_564, %swap3A_565], %swap3A_568 {strides = array<i32>} : memref<100x32x128xf32, #tpu.memory_space<vmem>>, vector<1x32x128xf32>,
    %slice3A_569 = vector.extract_strided_slice %get3A_1 {offsets = [0, 2432], sizes = [128, 128], strides = [1, 1]} : vector<128x3200xf32> to vector<128x128xf32>
    %transpose3A_570 = tpu.transpose %slice3A_569, [1, 0] : vector<128x128xf32> -> vector<128x128xf32>
    %slice3A_571 = vector.extract_strided_slice %transpose3A_570 {offsets = [0, 0], sizes = [32, 128], strides = [1, 1]} : vector<128x128xf32> to vector<32x128xf32>
    %swap3A_572 = arith.constant 76 : index
    %swap3A_573 = arith.constant 0 : index
    %swap3A_574 = arith.constant 0 : index
    %swap3A_575 = vector.load %arg2[%swap3A_572, %swap3A_573, %swap3A_574] : memref<100x32x128xf32, #tpu.memory_space<vmem>>, vector<1x32x128xf32>
    %swap3A_576 = vector.shape_cast %swap3A_575 : vector<1x32x128xf32> to vector<32x128xf32>
    %swap3A_577 = vector.shape_cast %slice3A_571 : vector<32x128xf32> to vector<1x32x128xf32>
    tpu.vector_store %arg2[%swap3A_572, %swap3A_573, %swap3A_574], %swap3A_577 {strides = array<i32>} : memref<100x32x128xf32, #tpu.memory_space<vmem>>, vector<1x32x128xf32>,
    %slice3A_578 = vector.extract_strided_slice %transpose3A_570 {offsets = [32, 0], sizes = [32, 128], strides = [1, 1]} : vector<128x128xf32> to vector<32x128xf32>
    %swap3A_579 = arith.constant 77 : index
    %swap3A_580 = arith.constant 0 : index
    %swap3A_581 = arith.constant 0 : index
    %swap3A_582 = vector.load %arg2[%swap3A_579, %swap3A_580, %swap3A_581] : memref<100x32x128xf32, #tpu.memory_space<vmem>>, vector<1x32x128xf32>
    %swap3A_583 = vector.shape_cast %swap3A_582 : vector<1x32x128xf32> to vector<32x128xf32>
    %swap3A_584 = vector.shape_cast %slice3A_578 : vector<32x128xf32> to vector<1x32x128xf32>
    tpu.vector_store %arg2[%swap3A_579, %swap3A_580, %swap3A_581], %swap3A_584 {strides = array<i32>} : memref<100x32x128xf32, #tpu.memory_space<vmem>>, vector<1x32x128xf32>,
    %slice3A_585 = vector.extract_strided_slice %transpose3A_570 {offsets = [64, 0], sizes = [32, 128], strides = [1, 1]} : vector<128x128xf32> to vector<32x128xf32>
    %swap3A_586 = arith.constant 78 : index
    %swap3A_587 = arith.constant 0 : index
    %swap3A_588 = arith.constant 0 : index
    %swap3A_589 = vector.load %arg2[%swap3A_586, %swap3A_587, %swap3A_588] : memref<100x32x128xf32, #tpu.memory_space<vmem>>, vector<1x32x128xf32>
    %swap3A_590 = vector.shape_cast %swap3A_589 : vector<1x32x128xf32> to vector<32x128xf32>
    %swap3A_591 = vector.shape_cast %slice3A_585 : vector<32x128xf32> to vector<1x32x128xf32>
    tpu.vector_store %arg2[%swap3A_586, %swap3A_587, %swap3A_588], %swap3A_591 {strides = array<i32>} : memref<100x32x128xf32, #tpu.memory_space<vmem>>, vector<1x32x128xf32>,
    %slice3A_592 = vector.extract_strided_slice %transpose3A_570 {offsets = [96, 0], sizes = [32, 128], strides = [1, 1]} : vector<128x128xf32> to vector<32x128xf32>
    %swap3A_593 = arith.constant 79 : index
    %swap3A_594 = arith.constant 0 : index
    %swap3A_595 = arith.constant 0 : index
    %swap3A_596 = vector.load %arg2[%swap3A_593, %swap3A_594, %swap3A_595] : memref<100x32x128xf32, #tpu.memory_space<vmem>>, vector<1x32x128xf32>
    %swap3A_597 = vector.shape_cast %swap3A_596 : vector<1x32x128xf32> to vector<32x128xf32>
    %swap3A_598 = vector.shape_cast %slice3A_592 : vector<32x128xf32> to vector<1x32x128xf32>
    tpu.vector_store %arg2[%swap3A_593, %swap3A_594, %swap3A_595], %swap3A_598 {strides = array<i32>} : memref<100x32x128xf32, #tpu.memory_space<vmem>>, vector<1x32x128xf32>,
    %slice3A_599 = vector.extract_strided_slice %get3A_1 {offsets = [0, 2560], sizes = [128, 128], strides = [1, 1]} : vector<128x3200xf32> to vector<128x128xf32>
    %transpose3A_600 = tpu.transpose %slice3A_599, [1, 0] : vector<128x128xf32> -> vector<128x128xf32>
    %slice3A_601 = vector.extract_strided_slice %transpose3A_600 {offsets = [0, 0], sizes = [32, 128], strides = [1, 1]} : vector<128x128xf32> to vector<32x128xf32>
    %swap3A_602 = arith.constant 80 : index
    %swap3A_603 = arith.constant 0 : index
    %swap3A_604 = arith.constant 0 : index
    %swap3A_605 = vector.load %arg2[%swap3A_602, %swap3A_603, %swap3A_604] : memref<100x32x128xf32, #tpu.memory_space<vmem>>, vector<1x32x128xf32>
    %swap3A_606 = vector.shape_cast %swap3A_605 : vector<1x32x128xf32> to vector<32x128xf32>
    %swap3A_607 = vector.shape_cast %slice3A_601 : vector<32x128xf32> to vector<1x32x128xf32>
    tpu.vector_store %arg2[%swap3A_602, %swap3A_603, %swap3A_604], %swap3A_607 {strides = array<i32>} : memref<100x32x128xf32, #tpu.memory_space<vmem>>, vector<1x32x128xf32>,
    %slice3A_608 = vector.extract_strided_slice %transpose3A_600 {offsets = [32, 0], sizes = [32, 128], strides = [1, 1]} : vector<128x128xf32> to vector<32x128xf32>
    %swap3A_609 = arith.constant 81 : index
    %swap3A_610 = arith.constant 0 : index
    %swap3A_611 = arith.constant 0 : index
    %swap3A_612 = vector.load %arg2[%swap3A_609, %swap3A_610, %swap3A_611] : memref<100x32x128xf32, #tpu.memory_space<vmem>>, vector<1x32x128xf32>
    %swap3A_613 = vector.shape_cast %swap3A_612 : vector<1x32x128xf32> to vector<32x128xf32>
    %swap3A_614 = vector.shape_cast %slice3A_608 : vector<32x128xf32> to vector<1x32x128xf32>
    tpu.vector_store %arg2[%swap3A_609, %swap3A_610, %swap3A_611], %swap3A_614 {strides = array<i32>} : memref<100x32x128xf32, #tpu.memory_space<vmem>>, vector<1x32x128xf32>,
    %slice3A_615 = vector.extract_strided_slice %transpose3A_600 {offsets = [64, 0], sizes = [32, 128], strides = [1, 1]} : vector<128x128xf32> to vector<32x128xf32>
    %swap3A_616 = arith.constant 82 : index
    %swap3A_617 = arith.constant 0 : index
    %swap3A_618 = arith.constant 0 : index
    %swap3A_619 = vector.load %arg2[%swap3A_616, %swap3A_617, %swap3A_618] : memref<100x32x128xf32, #tpu.memory_space<vmem>>, vector<1x32x128xf32>
    %swap3A_620 = vector.shape_cast %swap3A_619 : vector<1x32x128xf32> to vector<32x128xf32>
    %swap3A_621 = vector.shape_cast %slice3A_615 : vector<32x128xf32> to vector<1x32x128xf32>
    tpu.vector_store %arg2[%swap3A_616, %swap3A_617, %swap3A_618], %swap3A_621 {strides = array<i32>} : memref<100x32x128xf32, #tpu.memory_space<vmem>>, vector<1x32x128xf32>,
    %slice3A_622 = vector.extract_strided_slice %transpose3A_600 {offsets = [96, 0], sizes = [32, 128], strides = [1, 1]} : vector<128x128xf32> to vector<32x128xf32>
    %swap3A_623 = arith.constant 83 : index
    %swap3A_624 = arith.constant 0 : index
    %swap3A_625 = arith.constant 0 : index
    %swap3A_626 = vector.load %arg2[%swap3A_623, %swap3A_624, %swap3A_625] : memref<100x32x128xf32, #tpu.memory_space<vmem>>, vector<1x32x128xf32>
    %swap3A_627 = vector.shape_cast %swap3A_626 : vector<1x32x128xf32> to vector<32x128xf32>
    %swap3A_628 = vector.shape_cast %slice3A_622 : vector<32x128xf32> to vector<1x32x128xf32>
    tpu.vector_store %arg2[%swap3A_623, %swap3A_624, %swap3A_625], %swap3A_628 {strides = array<i32>} : memref<100x32x128xf32, #tpu.memory_space<vmem>>, vector<1x32x128xf32>,
    %slice3A_629 = vector.extract_strided_slice %get3A_1 {offsets = [0, 2688], sizes = [128, 128], strides = [1, 1]} : vector<128x3200xf32> to vector<128x128xf32>
    %transpose3A_630 = tpu.transpose %slice3A_629, [1, 0] : vector<128x128xf32> -> vector<128x128xf32>
    %slice3A_631 = vector.extract_strided_slice %transpose3A_630 {offsets = [0, 0], sizes = [32, 128], strides = [1, 1]} : vector<128x128xf32> to vector<32x128xf32>
    %swap3A_632 = arith.constant 84 : index
    %swap3A_633 = arith.constant 0 : index
    %swap3A_634 = arith.constant 0 : index
    %swap3A_635 = vector.load %arg2[%swap3A_632, %swap3A_633, %swap3A_634] : memref<100x32x128xf32, #tpu.memory_space<vmem>>, vector<1x32x128xf32>
    %swap3A_636 = vector.shape_cast %swap3A_635 : vector<1x32x128xf32> to vector<32x128xf32>
    %swap3A_637 = vector.shape_cast %slice3A_631 : vector<32x128xf32> to vector<1x32x128xf32>
    tpu.vector_store %arg2[%swap3A_632, %swap3A_633, %swap3A_634], %swap3A_637 {strides = array<i32>} : memref<100x32x128xf32, #tpu.memory_space<vmem>>, vector<1x32x128xf32>,
    %slice3A_638 = vector.extract_strided_slice %transpose3A_630 {offsets = [32, 0], sizes = [32, 128], strides = [1, 1]} : vector<128x128xf32> to vector<32x128xf32>
    %swap3A_639 = arith.constant 85 : index
    %swap3A_640 = arith.constant 0 : index
    %swap3A_641 = arith.constant 0 : index
    %swap3A_642 = vector.load %arg2[%swap3A_639, %swap3A_640, %swap3A_641] : memref<100x32x128xf32, #tpu.memory_space<vmem>>, vector<1x32x128xf32>
    %swap3A_643 = vector.shape_cast %swap3A_642 : vector<1x32x128xf32> to vector<32x128xf32>
    %swap3A_644 = vector.shape_cast %slice3A_638 : vector<32x128xf32> to vector<1x32x128xf32>
    tpu.vector_store %arg2[%swap3A_639, %swap3A_640, %swap3A_641], %swap3A_644 {strides = array<i32>} : memref<100x32x128xf32, #tpu.memory_space<vmem>>, vector<1x32x128xf32>,
    %slice3A_645 = vector.extract_strided_slice %transpose3A_630 {offsets = [64, 0], sizes = [32, 128], strides = [1, 1]} : vector<128x128xf32> to vector<32x128xf32>
    %swap3A_646 = arith.constant 86 : index
    %swap3A_647 = arith.constant 0 : index
    %swap3A_648 = arith.constant 0 : index
    %swap3A_649 = vector.load %arg2[%swap3A_646, %swap3A_647, %swap3A_648] : memref<100x32x128xf32, #tpu.memory_space<vmem>>, vector<1x32x128xf32>
    %swap3A_650 = vector.shape_cast %swap3A_649 : vector<1x32x128xf32> to vector<32x128xf32>
    %swap3A_651 = vector.shape_cast %slice3A_645 : vector<32x128xf32> to vector<1x32x128xf32>
    tpu.vector_store %arg2[%swap3A_646, %swap3A_647, %swap3A_648], %swap3A_651 {strides = array<i32>} : memref<100x32x128xf32, #tpu.memory_space<vmem>>, vector<1x32x128xf32>,
    %slice3A_652 = vector.extract_strided_slice %transpose3A_630 {offsets = [96, 0], sizes = [32, 128], strides = [1, 1]} : vector<128x128xf32> to vector<32x128xf32>
    %swap3A_653 = arith.constant 87 : index
    %swap3A_654 = arith.constant 0 : index
    %swap3A_655 = arith.constant 0 : index
    %swap3A_656 = vector.load %arg2[%swap3A_653, %swap3A_654, %swap3A_655] : memref<100x32x128xf32, #tpu.memory_space<vmem>>, vector<1x32x128xf32>
    %swap3A_657 = vector.shape_cast %swap3A_656 : vector<1x32x128xf32> to vector<32x128xf32>
    %swap3A_658 = vector.shape_cast %slice3A_652 : vector<32x128xf32> to vector<1x32x128xf32>
    tpu.vector_store %arg2[%swap3A_653, %swap3A_654, %swap3A_655], %swap3A_658 {strides = array<i32>} : memref<100x32x128xf32, #tpu.memory_space<vmem>>, vector<1x32x128xf32>,
    %slice3A_659 = vector.extract_strided_slice %get3A_1 {offsets = [0, 2816], sizes = [128, 128], strides = [1, 1]} : vector<128x3200xf32> to vector<128x128xf32>
    %transpose3A_660 = tpu.transpose %slice3A_659, [1, 0] : vector<128x128xf32> -> vector<128x128xf32>
    %slice3A_661 = vector.extract_strided_slice %transpose3A_660 {offsets = [0, 0], sizes = [32, 128], strides = [1, 1]} : vector<128x128xf32> to vector<32x128xf32>
    %swap3A_662 = arith.constant 88 : index
    %swap3A_663 = arith.constant 0 : index
    %swap3A_664 = arith.constant 0 : index
    %swap3A_665 = vector.load %arg2[%swap3A_662, %swap3A_663, %swap3A_664] : memref<100x32x128xf32, #tpu.memory_space<vmem>>, vector<1x32x128xf32>
    %swap3A_666 = vector.shape_cast %swap3A_665 : vector<1x32x128xf32> to vector<32x128xf32>
    %swap3A_667 = vector.shape_cast %slice3A_661 : vector<32x128xf32> to vector<1x32x128xf32>
    tpu.vector_store %arg2[%swap3A_662, %swap3A_663, %swap3A_664], %swap3A_667 {strides = array<i32>} : memref<100x32x128xf32, #tpu.memory_space<vmem>>, vector<1x32x128xf32>,
    %slice3A_668 = vector.extract_strided_slice %transpose3A_660 {offsets = [32, 0], sizes = [32, 128], strides = [1, 1]} : vector<128x128xf32> to vector<32x128xf32>
    %swap3A_669 = arith.constant 89 : index
    %swap3A_670 = arith.constant 0 : index
    %swap3A_671 = arith.constant 0 : index
    %swap3A_672 = vector.load %arg2[%swap3A_669, %swap3A_670, %swap3A_671] : memref<100x32x128xf32, #tpu.memory_space<vmem>>, vector<1x32x128xf32>
    %swap3A_673 = vector.shape_cast %swap3A_672 : vector<1x32x128xf32> to vector<32x128xf32>
    %swap3A_674 = vector.shape_cast %slice3A_668 : vector<32x128xf32> to vector<1x32x128xf32>
    tpu.vector_store %arg2[%swap3A_669, %swap3A_670, %swap3A_671], %swap3A_674 {strides = array<i32>} : memref<100x32x128xf32, #tpu.memory_space<vmem>>, vector<1x32x128xf32>,
    %slice3A_675 = vector.extract_strided_slice %transpose3A_660 {offsets = [64, 0], sizes = [32, 128], strides = [1, 1]} : vector<128x128xf32> to vector<32x128xf32>
    %swap3A_676 = arith.constant 90 : index
    %swap3A_677 = arith.constant 0 : index
    %swap3A_678 = arith.constant 0 : index
    %swap3A_679 = vector.load %arg2[%swap3A_676, %swap3A_677, %swap3A_678] : memref<100x32x128xf32, #tpu.memory_space<vmem>>, vector<1x32x128xf32>
    %swap3A_680 = vector.shape_cast %swap3A_679 : vector<1x32x128xf32> to vector<32x128xf32>
    %swap3A_681 = vector.shape_cast %slice3A_675 : vector<32x128xf32> to vector<1x32x128xf32>
    tpu.vector_store %arg2[%swap3A_676, %swap3A_677, %swap3A_678], %swap3A_681 {strides = array<i32>} : memref<100x32x128xf32, #tpu.memory_space<vmem>>, vector<1x32x128xf32>,
    %slice3A_682 = vector.extract_strided_slice %transpose3A_660 {offsets = [96, 0], sizes = [32, 128], strides = [1, 1]} : vector<128x128xf32> to vector<32x128xf32>
    %swap3A_683 = arith.constant 91 : index
    %swap3A_684 = arith.constant 0 : index
    %swap3A_685 = arith.constant 0 : index
    %swap3A_686 = vector.load %arg2[%swap3A_683, %swap3A_684, %swap3A_685] : memref<100x32x128xf32, #tpu.memory_space<vmem>>, vector<1x32x128xf32>
    %swap3A_687 = vector.shape_cast %swap3A_686 : vector<1x32x128xf32> to vector<32x128xf32>
    %swap3A_688 = vector.shape_cast %slice3A_682 : vector<32x128xf32> to vector<1x32x128xf32>
    tpu.vector_store %arg2[%swap3A_683, %swap3A_684, %swap3A_685], %swap3A_688 {strides = array<i32>} : memref<100x32x128xf32, #tpu.memory_space<vmem>>, vector<1x32x128xf32>,
    %slice3A_689 = vector.extract_strided_slice %get3A_1 {offsets = [0, 2944], sizes = [128, 128], strides = [1, 1]} : vector<128x3200xf32> to vector<128x128xf32>
    %transpose3A_690 = tpu.transpose %slice3A_689, [1, 0] : vector<128x128xf32> -> vector<128x128xf32>
    %slice3A_691 = vector.extract_strided_slice %transpose3A_690 {offsets = [0, 0], sizes = [32, 128], strides = [1, 1]} : vector<128x128xf32> to vector<32x128xf32>
    %swap3A_692 = arith.constant 92 : index
    %swap3A_693 = arith.constant 0 : index
    %swap3A_694 = arith.constant 0 : index
    %swap3A_695 = vector.load %arg2[%swap3A_692, %swap3A_693, %swap3A_694] : memref<100x32x128xf32, #tpu.memory_space<vmem>>, vector<1x32x128xf32>
    %swap3A_696 = vector.shape_cast %swap3A_695 : vector<1x32x128xf32> to vector<32x128xf32>
    %swap3A_697 = vector.shape_cast %slice3A_691 : vector<32x128xf32> to vector<1x32x128xf32>
    tpu.vector_store %arg2[%swap3A_692, %swap3A_693, %swap3A_694], %swap3A_697 {strides = array<i32>} : memref<100x32x128xf32, #tpu.memory_space<vmem>>, vector<1x32x128xf32>,
    %slice3A_698 = vector.extract_strided_slice %transpose3A_690 {offsets = [32, 0], sizes = [32, 128], strides = [1, 1]} : vector<128x128xf32> to vector<32x128xf32>
    %swap3A_699 = arith.constant 93 : index
    %swap3A_700 = arith.constant 0 : index
    %swap3A_701 = arith.constant 0 : index
    %swap3A_702 = vector.load %arg2[%swap3A_699, %swap3A_700, %swap3A_701] : memref<100x32x128xf32, #tpu.memory_space<vmem>>, vector<1x32x128xf32>
    %swap3A_703 = vector.shape_cast %swap3A_702 : vector<1x32x128xf32> to vector<32x128xf32>
    %swap3A_704 = vector.shape_cast %slice3A_698 : vector<32x128xf32> to vector<1x32x128xf32>
    tpu.vector_store %arg2[%swap3A_699, %swap3A_700, %swap3A_701], %swap3A_704 {strides = array<i32>} : memref<100x32x128xf32, #tpu.memory_space<vmem>>, vector<1x32x128xf32>,
    %slice3A_705 = vector.extract_strided_slice %transpose3A_690 {offsets = [64, 0], sizes = [32, 128], strides = [1, 1]} : vector<128x128xf32> to vector<32x128xf32>
    %swap3A_706 = arith.constant 94 : index
    %swap3A_707 = arith.constant 0 : index
    %swap3A_708 = arith.constant 0 : index
    %swap3A_709 = vector.load %arg2[%swap3A_706, %swap3A_707, %swap3A_708] : memref<100x32x128xf32, #tpu.memory_space<vmem>>, vector<1x32x128xf32>
    %swap3A_710 = vector.shape_cast %swap3A_709 : vector<1x32x128xf32> to vector<32x128xf32>
    %swap3A_711 = vector.shape_cast %slice3A_705 : vector<32x128xf32> to vector<1x32x128xf32>
    tpu.vector_store %arg2[%swap3A_706, %swap3A_707, %swap3A_708], %swap3A_711 {strides = array<i32>} : memref<100x32x128xf32, #tpu.memory_space<vmem>>, vector<1x32x128xf32>,
    %slice3A_712 = vector.extract_strided_slice %transpose3A_690 {offsets = [96, 0], sizes = [32, 128], strides = [1, 1]} : vector<128x128xf32> to vector<32x128xf32>
    %swap3A_713 = arith.constant 95 : index
    %swap3A_714 = arith.constant 0 : index
    %swap3A_715 = arith.constant 0 : index
    %swap3A_716 = vector.load %arg2[%swap3A_713, %swap3A_714, %swap3A_715] : memref<100x32x128xf32, #tpu.memory_space<vmem>>, vector<1x32x128xf32>
    %swap3A_717 = vector.shape_cast %swap3A_716 : vector<1x32x128xf32> to vector<32x128xf32>
    %swap3A_718 = vector.shape_cast %slice3A_712 : vector<32x128xf32> to vector<1x32x128xf32>
    tpu.vector_store %arg2[%swap3A_713, %swap3A_714, %swap3A_715], %swap3A_718 {strides = array<i32>} : memref<100x32x128xf32, #tpu.memory_space<vmem>>, vector<1x32x128xf32>,
    %slice3A_719 = vector.extract_strided_slice %get3A_1 {offsets = [0, 3072], sizes = [128, 128], strides = [1, 1]} : vector<128x3200xf32> to vector<128x128xf32>
    %transpose3A_720 = tpu.transpose %slice3A_719, [1, 0] : vector<128x128xf32> -> vector<128x128xf32>
    %slice3A_721 = vector.extract_strided_slice %transpose3A_720 {offsets = [0, 0], sizes = [32, 128], strides = [1, 1]} : vector<128x128xf32> to vector<32x128xf32>
    %swap3A_722 = arith.constant 96 : index
    %swap3A_723 = arith.constant 0 : index
    %swap3A_724 = arith.constant 0 : index
    %swap3A_725 = vector.load %arg2[%swap3A_722, %swap3A_723, %swap3A_724] : memref<100x32x128xf32, #tpu.memory_space<vmem>>, vector<1x32x128xf32>
    %swap3A_726 = vector.shape_cast %swap3A_725 : vector<1x32x128xf32> to vector<32x128xf32>
    %swap3A_727 = vector.shape_cast %slice3A_721 : vector<32x128xf32> to vector<1x32x128xf32>
    tpu.vector_store %arg2[%swap3A_722, %swap3A_723, %swap3A_724], %swap3A_727 {strides = array<i32>} : memref<100x32x128xf32, #tpu.memory_space<vmem>>, vector<1x32x128xf32>,
    %slice3A_728 = vector.extract_strided_slice %transpose3A_720 {offsets = [32, 0], sizes = [32, 128], strides = [1, 1]} : vector<128x128xf32> to vector<32x128xf32>
    %swap3A_729 = arith.constant 97 : index
    %swap3A_730 = arith.constant 0 : index
    %swap3A_731 = arith.constant 0 : index
    %swap3A_732 = vector.load %arg2[%swap3A_729, %swap3A_730, %swap3A_731] : memref<100x32x128xf32, #tpu.memory_space<vmem>>, vector<1x32x128xf32>
    %swap3A_733 = vector.shape_cast %swap3A_732 : vector<1x32x128xf32> to vector<32x128xf32>
    %swap3A_734 = vector.shape_cast %slice3A_728 : vector<32x128xf32> to vector<1x32x128xf32>
    tpu.vector_store %arg2[%swap3A_729, %swap3A_730, %swap3A_731], %swap3A_734 {strides = array<i32>} : memref<100x32x128xf32, #tpu.memory_space<vmem>>, vector<1x32x128xf32>,
    %slice3A_735 = vector.extract_strided_slice %transpose3A_720 {offsets = [64, 0], sizes = [32, 128], strides = [1, 1]} : vector<128x128xf32> to vector<32x128xf32>
    %swap3A_736 = arith.constant 98 : index
    %swap3A_737 = arith.constant 0 : index
    %swap3A_738 = arith.constant 0 : index
    %swap3A_739 = vector.load %arg2[%swap3A_736, %swap3A_737, %swap3A_738] : memref<100x32x128xf32, #tpu.memory_space<vmem>>, vector<1x32x128xf32>
    %swap3A_740 = vector.shape_cast %swap3A_739 : vector<1x32x128xf32> to vector<32x128xf32>
    %swap3A_741 = vector.shape_cast %slice3A_735 : vector<32x128xf32> to vector<1x32x128xf32>
    tpu.vector_store %arg2[%swap3A_736, %swap3A_737, %swap3A_738], %swap3A_741 {strides = array<i32>} : memref<100x32x128xf32, #tpu.memory_space<vmem>>, vector<1x32x128xf32>,
    %slice3A_742 = vector.extract_strided_slice %transpose3A_720 {offsets = [96, 0], sizes = [32, 128], strides = [1, 1]} : vector<128x128xf32> to vector<32x128xf32>
    %swap3A_743 = arith.constant 99 : index
    %swap3A_744 = arith.constant 0 : index
    %swap3A_745 = arith.constant 0 : index
    %swap3A_746 = vector.load %arg2[%swap3A_743, %swap3A_744, %swap3A_745] : memref<100x32x128xf32, #tpu.memory_space<vmem>>, vector<1x32x128xf32>
    %swap3A_747 = vector.shape_cast %swap3A_746 : vector<1x32x128xf32> to vector<32x128xf32>
    %swap3A_748 = vector.shape_cast %slice3A_742 : vector<32x128xf32> to vector<1x32x128xf32>
    tpu.vector_store %arg2[%swap3A_743, %swap3A_744, %swap3A_745], %swap3A_748 {strides = array<i32>} : memref<100x32x128xf32, #tpu.memory_space<vmem>>, vector<1x32x128xf32>,
    return
  }
  func.func @transform_0(%arg0: i32) -> (i32, i32) {
    %c0_i32 = arith.constant 0 : i32
    %c0_i32_0 = arith.constant 0 : i32
    return %arg0, %c0_i32 : i32, i32
  }
  func.func @transform_1(%arg0: i32) -> (i32, i32, i32) {
    %c0_i32 = arith.constant 0 : i32
    %c0_i32_0 = arith.constant 0 : i32
    %c0_i32_1 = arith.constant 0 : i32
    return %c0_i32, %c0_i32_0, %arg0 : i32, i32, i32
  }
}

</mosaic_0001>

<sc_bundles>
// kernel: kernel.4.cloned.1.call-start
scs
__scs_entry_jumppad:
0x0: {  	(pc) =	sbr.rel $0x88, $3  }
0x1: {  	(tag) =	ssettag $0x0;
	lr =	simm.s32 $0x1  }
0x2: {  	[smem:$0x3F9F] =	sst lr;
	_ =	strace $0xD0000000  }
0x3: {  	_ = 	snop  }
0x4: {  	_ = 	snop  }
0x5: {  	_ = 	snop  }
0x6: {  	_ = 	snop  }
0x7: {  	_ = 	snop  }
__scs_overlays_trampoline_lowered:
0x8: {  	[smem:$0x3FAE] =	sst s0  }
0x9: {  	[smem:$0x3FAF] =	sst s1  }
0xa: {  	[smem:$0x3FB0] =	sst s2  }
0xb: {  	[smem:$0x3FB1] =	sst s3  }
0xc: {  	[smem:$0x3FB2] =	sst s4  }
0xd: {  	[smem:$0x3FB3] =	sst s5  }
0xe: {  	[smem:$0x3FB4] =	sst s6  }
0xf: {  	[smem:$0x3FB5] =	sst s7  }
0x10: {  	[smem:$0x3FB6] =	sst s8  }
0x11: {  	[smem:$0x3FB7] =	sst s9;
	s0 =	simm.s32 @!p0 $0x0  }
0x12: {  	s1 =	sld [smem:$0x3F9D];
	s0 =	simm.s32 @p0 $0x1  }
0x13: {  	[smem:$0x3FB8] =	sst s0;
	s0 =	simm.s32 @!p1 $0x0  }
0x14: {  	s2 =	sld [smem:$0x3F9C];
	s0 =	simm.s32 @p1 $0x1  }
0x15: {  	[smem:$0x3FB9] =	sst s0;
	s0 =	simm.s32 @!p2 $0x0  }
0x16: {  	s3 =	sld [smem:$0x3FDB];
	s0 =	simm.s32 @p2 $0x1  }
0x17: {  	s4 =	simm.s32 $0x1BF5;
	[smem:$0x3FBB] =	sst s0  }
0x18: {  	s0 =	sld [smem:$0x3F9E];
	_ =	swait.ge [sflag:s4], $0x0  }
0x19: {  	s7 =	sld [smem:$0x3F9F]  }
0x1a: {  	s8 =	sadd.s32 $0xFFFFE003, lr  }
0x1b: {  	s9 =	sadd.s32 $0xFFFFFEF7, lr;
	s5 =	simm.s32 $0xFFFFFFFF;
	p2 =	slt.u32 s8, $0xFFFFF086  }
0x1c: {  	p1 =	slt.u32 s9, $0xF7A;
	s5 =	simm.s32 @!p2 $0x0  }
0x1d: {  	s5 =	simm.s32 @p1 $0x1;
	p0 =	seq.s32 s7, s2  }
0x1e: {  	s7 =	smul.u32 @!p0 $0xF7A, s2;
	p2 =	seq.s32 @!p0 s5, $0x0  }
0x1f: {  	s9 =	smul.u32 $0xF7A, s1;
	s8 =	simm.s32 @!p0 $0x1BF5;
	p2 =	por !p2, p0  }
0x20: {  	[sflag:s8] =	ssyncset.s32 @!p0 $0xFFFFF086;
	s6 =	sadd.s32 @!p0 s3, s7;
	s7 =	simm.s32 @!p0 $0x108  }
0x21: {  	s3 =	sadd.s32 s3, s9;
	s6 =	sadd.s32 @!p0 $0x88, s6;
	s7 =	simm.s32 @p2 $0x1082  }
0x22: {  	[simem:s7], [sflag:s8] =	dma.local @!p0 [hbm:s6], $0xF7A  }
0x23: {  	s9 =	sor.u32 $0xD0000000, s2;
	s6 =	simm.s32 $0x108;
	_ =	swait.ge @!p0 [sflag:s8], $0x0  }
0x24: {  	s3 =	sadd.s32 $0x88, s3;
	s6 =	simm.s32 @!p1 $0x1082;
	[sflag:s4] =	ssyncset.s32 $0xFFFFF086  }
0x25: {  	[simem:s6], [sflag:s4] =	dma.local [hbm:s3], $0xF7A  }
0x26: {  	[smem:$0x3F9F] =	sst s1;
	(tag) =	ssettag s2;
	_ =	strace s9  }
0x27: {  	s1 =	sld [smem:$0x3FAF]  }
0x28: {  	s2 =	sld [smem:$0x3FB0]  }
0x29: {  	s4 =	sld [smem:$0x3FB2]  }
0x2a: {  	p0 =	seq.s32 s5, $0x0;
	s5 =	sld [smem:$0x3FB3]  }
0x2b: {  	s6 =	sld [smem:$0x3FB4]  }
0x2c: {  	s7 =	sld [smem:$0x3FB5]  }
0x2d: {  	s3 =	simm.s32 $0x108;
	s8 =	sld [smem:$0x3FB6]  }
0x2e: {  	s3 =	simm.s32 @!p0 $0x1082;
	s9 =	sld [smem:$0x3FB7]  }
0x2f: {  	lr =	sadd.s32 s0, s3;
	s0 =	sld [smem:$0x3FAE]  }
0x30: {  	s3 =	sld [smem:$0x3FB1]  }
0x31: {  	[smem:$0x3FBA] =	sst s10  }
0x32: {  	s10 =	sld [smem:$0x3FB8];
	_ =	sdelay $0x3  }
0x33: {  	p0 =	seq.s32 s10, $0x1;
	s10 =	sld [smem:$0x3FBA];
	_ =	sdelay $0x3  }
0x34: {  	[smem:$0x3FBA] =	sst s10  }
0x35: {  	s10 =	sld [smem:$0x3FB9];
	_ =	sdelay $0x3  }
0x36: {  	p1 =	seq.s32 s10, $0x1;
	s10 =	sld [smem:$0x3FBA];
	_ =	sdelay $0x3  }
0x37: {  	[smem:$0x3FBA] =	sst s10  }
0x38: {  	s10 =	sld [smem:$0x3FBB]  }
0x39: {  	_ = 	snop;
	(pc) =	sbr.ind lr, $3  }
0x3a: {  	_ = 	snop  }
0x3b: {  	_ = 	snop  }
0x3c: {  	p2 =	seq.s32 s10, $0x1;
	s10 =	sld [smem:$0x3FBA]  }
0x3d: {  	_ =	shalt  }
0x3e: {  	_ =	shalt  }
0x3f: {  	_ =	shalt  }
0x40: {  	_ =	shalt  }
0x41: {  	_ =	shalt  }
0x42: {  	_ =	shalt  }
0x43: {  	_ =	shalt  }
0x44: {  	_ =	shalt  }
0x45: {  	_ =	shalt  }
0x46: {  	_ =	shalt  }
0x47: {  	_ =	shalt  }
0x48: {  	_ =	shalt  }
0x49: {  	_ =	shalt  }
0x4a: {  	_ =	shalt  }
0x4b: {  	_ =	shalt  }
0x4c: {  	_ =	shalt  }
0x4d: {  	_ =	shalt  }
0x4e: {  	_ =	shalt  }
0x4f: {  	_ =	shalt  }
0x50: {  	_ =	shalt  }
0x51: {  	_ =	shalt  }
0x52: {  	_ =	shalt  }
0x53: {  	_ =	shalt  }
0x54: {  	_ =	shalt  }
0x55: {  	_ =	shalt  }
0x56: {  	_ =	shalt  }
0x57: {  	_ =	shalt  }
0x58: {  	_ =	shalt  }
0x59: {  	_ =	shalt  }
0x5a: {  	_ =	shalt  }
0x5b: {  	_ =	shalt  }
0x5c: {  	_ =	shalt  }
0x5d: {  	_ =	shalt  }
0x5e: {  	_ =	shalt  }
0x5f: {  	_ =	shalt  }
0x60: {  	_ =	shalt  }
0x61: {  	_ =	shalt  }
0x62: {  	_ =	shalt  }
0x63: {  	_ =	shalt  }
0x64: {  	_ =	shalt  }
0x65: {  	_ =	shalt  }
0x66: {  	_ =	shalt  }
0x67: {  	_ =	shalt  }
0x68: {  	_ =	shalt  }
0x69: {  	_ =	shalt  }
0x6a: {  	_ =	shalt  }
0x6b: {  	_ =	shalt  }
0x6c: {  	_ =	shalt  }
0x6d: {  	_ =	shalt  }
0x6e: {  	_ =	shalt  }
0x6f: {  	_ =	shalt  }
0x70: {  	_ =	shalt  }
0x71: {  	_ =	shalt  }
0x72: {  	_ =	shalt  }
0x73: {  	_ =	shalt  }
0x74: {  	_ =	shalt  }
0x75: {  	_ =	shalt  }
0x76: {  	_ =	shalt  }
0x77: {  	_ =	shalt  }
0x78: {  	_ =	shalt  }
0x79: {  	_ =	shalt  }
0x7a: {  	_ =	shalt  }
0x7b: {  	_ =	shalt  }
0x7c: {  	_ =	shalt  }
0x7d: {  	_ =	shalt  }
0x7e: {  	_ =	shalt  }
0x7f: {  	_ =	shalt  }
0x80: {  	_ =	shalt  }
0x81: {  	_ =	shalt  }
0x82: {  	_ =	shalt  }
0x83: {  	_ =	shalt  }
0x84: {  	_ =	shalt  }
0x85: {  	_ =	shalt  }
0x86: {  	_ =	shalt  }
0x87: {  	_ =	shalt  }
.Lfunc_end0:
.L_simem_size_0:
called_computation_lowered:
.L_overlay_start_0:
0x88: {  	s2 =	sld [smem:$0x3FD9]  }
0x89: {  	s3 =	sld [smem:$0x3FFE];
	_ =	sdelay $0x1  }
0x8a: {  	s1 =	srdreg.scid  }
0x8b: {  	s0 =	sand.u32 $0x1, s1  }
0x8c: {  	s17 =	sshll.u32 s0, $0xA;
	s2 =	sadd.s32 s3, s2  }
0x8d: {  	s2 =	sadd.s32 s2, s17  }
0x8e: {  	[smem:$0x3FC6] =	sst s2  }
0x8f: {  	_ = 	snop  }
0x90: {  	s2 =	sld [smem:$0x3FD0];
	(tm) =	ssettm $0x1  }
0x91: {  	s18 =	sld [smem:$0x3FFB];
	_ =	sdelay $0x3  }
0x92: {  	_ =	strace s18  }
0x93: {  	s3 =	sld [smem:$0x3FFC];
	_ =	sdelay $0x3  }
0x94: {  	_ =	strace s3  }
0x95: {  	s3 =	sld [smem:$0x3FFD];
	_ =	sdelay $0x3  }
0x96: {  	_ =	strace s3  }
0x97: {  	_ =	strace $0x8FFFFFFF  }
0x98: {  	s19 =	sld [smem:$0x3FDB];
	_ =	sdelay $0x1  }
0x99: {  	s4 =	simm.s32 $_scs_section_size  }
0x9a: {  	s5 =	simm.s32 $_size__tile_overlayer_lowered;
	s6 =	simm.s32 $_tile_overlayer_lowered  }
0x9b: {  	s22 =	simm.s32 $0x1BFF;
	s21 =	sshll.u32 s6, $0x1;
	s3 =	sadd.s32 s4, s19  }
0x9c: {  	s7 =	simm.s32 $0x0;
	s20 =	sshll.u32 s5, $0x1;
	s5 =	sadd.s32 s21, s3  }
0x9d: {  	[timem:s7], [sflag:s22] =	dma.local [hbm:s5], s20  }
0x9e: {  	_ =	swait.ge [sflag:s22], s20  }
0x9f: {  	s4 =	ssub.s32 $0x0, s20;
	[sflag:s22] =	ssyncset.done $0x0  }
0xa0: {  	[sflag:s22] =	ssyncadd.s32 s4;
	_ =	sdelay $0x1  }
0xa1: {  	s23 =	simm.s32 $0x1B8B  }
0xa2: {  	_ =	swait.ge [sflag:s23], $0x1  }
0xa3: {  	[sflag:s23] =	ssyncset.done $0x0  }
0xa4: {  	s25 =	simm.s32 $0x1B8E;
	s24 =	sld [smem:$0x3FFE];
	[sflag:s23] =	ssyncadd.s32 $0xFFFFFFFF  }
0xa5: {  	s26 =	simm.s32 $execute0_lowered;
	[smem:$0x3FD2] =	sst s25  }
0xa6: {  	s5 =	sshll.u32 s26, $0x1;
	_ =	strace $0x80000046;
	[dreg:$0x1] =	wrdreg $0xFFFFFFFF  }
0xa7: {  	s28 =	simm.s32 $_size_execute0_lowered;
	s3 =	sadd.s32 s3, s5;
	[dreg:$0x0] =	wrdreg $0x0  }
0xa8: {  	s5 =	sshll.u32 s28, $0x1;
	[dreg:$0x2] =	wrdreg s3  }
0xa9: {  	[dreg:$0x3] =	wrdreg s5  }
0xaa: {  	[dreg:$0x4] =	wrdreg $0xC0  }
0xab: {  	_ =	task [dreg:s7], $0x5FFFF  }
0xac: {  	[dreg:$0x1] =	wrdreg $0xFFFFFFFF  }
0xad: {  	[dreg:$0x0] =	wrdreg $0x60  }
0xae: {  	[dreg:$0x2] =	wrdreg s24  }
0xaf: {  	[dreg:$0x3] =	wrdreg s2  }
0xb0: {  	[dreg:$0x4] =	wrdreg $0x9  }
0xb1: {  	_ =	task.clear_ibuf [dreg:s7], $0x5FFFF;
	_ =	strace $0x90000046  }
0xb2: {  	s29 =	simm.s32 $0x9;
	_ =	strace $0x80000048  }
0xb3: {  	_ =	swait.ge [sflag:s29], $0x1  }
0xb4: {  	[sflag:s29] =	ssyncadd.s32 $0xFFFFFFFF  }
0xb5: {  	_ =	strace $0x90000048  }
0xb6: {  	_ =	sfence  }
0xb7: {  	s30 =	sld [smem:$0x0];
	_ =	sdelay $0x2  }
0xb8: {  	s31 =	sshll.u32 s1, $0xD;
	s1 =	sshrl.u32 s1, $0x2  }
0xb9: {  	s3 =	sand.u32 $0x4000, s31;
	s1 =	sadd.s32 s1, s30  }
0xba: {  	s0 =	sor.u32 s3, s0;
	s1 =	sshll.u32 s1, $0x11  }
0xbb: {  	s0 =	sor.u32 s1, s0  }
0xbc: {  	s0 =	sadd.s32 $0x8F2B, s0  }
0xbd: {  	[sflag:s0] =	ssyncadd.remote.s32 $0x1  }
0xbe: {  	_ =	sfence.sel $0xFFFF  }
0xbf: {  	[dreg:$0x0] =	wrdreg $0xFFFFFFFF;
	(pc) =	sbr.abs _section_cstart, $3  }
0xc0: {  	[dreg:$0x1] =	wrdreg $0xFFFFFFFF  }
0xc1: {  	_ =	task.clear_ibuf [dreg:s7], $0x2FFFF;
	_ =	strace $0x9FFFFFFF  }
0xc2: {  	(tm) =	ssettm $0x7FFFFFFF  }
0xc3: {  	_ =	shalt  }
tec
execute0_lowered:
.L_overlay_start_1:
0x0: {  	(tag) =	ssettag $0x1  }
0x1: {  	s3 =	rddreg [dreg:$0x0]  }
0x2: {  	s12 =	rddreg [dreg:$0x1]  }
0x3: {  	s0 =	rddreg [dreg:$0x2]  }
0x4: {  	s4 =	srdreg.scid;
	s1 =	stileid.u32  }
0x5: {  	s2 =	simm.s32 $0x0;
	s18 =	simm.s32 $0x3;
	s19 =	simm.s32 $0x2  }
0x6: {  	s20 =	simm.s32 $0xD480;
	s21 =	simm.s32 $0x4;
	s22 =	simm.s32 $0x5  }
0x7: {  	s23 =	simm.s32 $0x6;
	s13 =	sand.u32 $0x1, s4;
	s9 =	smul.u32 $0x19000, s1  }
0x8: {  	s26 =	sshll.u32 s1, $0x1;
	[smem:$0x7FF] =	sst s2;
	s16 =	smul.u32 $0x64000, s1  }
0x9: {  	s14 =	sadd.s32 $0x600, s3;
	s3 =	sadd.s32 $0xF42A00, s3;
	s29 =	smul.u32 $0xC800, s13  }
0xa: {  	s4 =	sor.u32 s13, s26;
	s5 =	ssub.s32 $0x2, s13;
	s13 =	smul.u32 $0x32000, s13  }
0xb: {  	s24 =	simm.s32 $0x0;
	_ =	strace $0x80000047;
	s6 =	smul.u32 $0xC800, s4  }
0xc: {  	s7 =	smul.u32 $0x32000, s4;
	s28 =	sshrl.u32 s5, $0x1;
	s16 =	sadd.s32 s16, s12  }
0xd: {  	s10 =	ssub.s32 s5, s28;
	s15 =	sadd.s32 s29, s9;
	s16 =	sadd.s32 s13, s16  }
0xe: {  	s8 =	sshrl.u32 s6, $0x3;
	s11 =	sshll.u32 s6, $0x2;
	s6 =	smax.u32 s10, $0x1  }
0xf: {  	s7 =	sadd.s32 s12, s7;
	s31 =	sadd.s32 $0x1F40, s15;
	s17 =	sshll.u32 s15, $0x2  }
0x10: {  	s15 =	sadd.s32 $0x1900, s15;
	s4 =	sadd.s32 s14, s8;
	s30 =	sadd.s32 s11, s12  }
.Ltmp0:
0x11: {  	s11 =	sshrl.u32 s31, $0x3;
	s17 =	sadd.s32 s12, s17;
	(pc) =	sbr.rel .LBB2_1-.Ltmp0, $4  }
0x12: {  	s15 =	sshrl.u32 s15, $0x3;
	s5 =	sadd.s32 $0xC8, s4;
	s8 =	sadd.s32 $0x190, s4  }
0x13: {  	s9 =	sadd.s32 $0x1900, s30;
	s10 =	sadd.s32 $0x258, s4;
	s11 =	sadd.s32 s11, s14  }
0x14: {  	s12 =	sadd.s32 $0x4B00, s17;
	s13 =	sadd.s32 s15, s14;
	s14 =	sadd.s32 $0x3200, s16  }
0x15: {  	s15 =	simm.s32 $0x640;
	s16 =	simm.s32 $0x1;
	s17 =	simm.s32 $0xC80  }
.LBB2_4:
0x16: {  	s24 =	sadd.s32 $0x1, s24  }
0x17: {  	_ =	swait.ge [sflag:s22], $0xC800;
	p0 =	sne.s32 s24, s6  }
.Ltmp1:
0x18: {  	[sflag:s22] =	ssyncset.done $0x0;
	(pc) =	sbr.rel @!p0 .LBB2_5-.Ltmp1, $4  }
0x19: {  	[sflag:s22] =	ssyncadd.s32 $0xFFFF3800  }
0x1a: {  	_ =	swait.ge [sflag:s23], $0xC800  }
0x1b: {  	[sflag:s23] =	ssyncset.done $0x0  }
0x1c: {  	[sflag:s23] =	ssyncadd.s32 $0xFFFF3800  }
.LBB2_1:
0x1d: {  	[tilespmem:s2], [sflag:$0x1] =	stream.linear.gather [hbm4b:s4+s2], $0x640, $0x38;
	[tilespmem:$0x19C80] =	vst v63  }
0x1e: {  	_ = 	snop  }
0x1f: {  	[tilespmem:s15], [sflag:$0x2] =	stream.linear.gather [hbm4b:s5+s2], $0x640, $0x38;
	[tilespmem:$0x19C80] =	vst v63  }
0x20: {  	_ =	swait.ge [sflag:s16], $0x640  }
0x21: {  	[sflag:s16] =	ssyncset.done $0x0  }
0x22: {  	[sflag:s16] =	ssyncadd.s32 $0xFFFFF9C0  }
0x23: {  	[tilespmem:s17], [sflag:$0x3] =	stream.indirect.gather [hbm4b:s3+s15], $0x20, s2, s15, $0xb8;
	[tilespmem:$0x19C80] =	vst v63  }
0x24: {  	_ =	swait.ge [sflag:s18], $0xC800  }
0x25: {  	[sflag:s18] =	ssyncset.done $0x0  }
0x26: {  	[sflag:s18] =	ssyncadd.s32 $0xFFFF3800  }
0x27: {  	[hbm4b:s7+s2] =	stream.linear.scatter [tilespmem:s17], [sflag:$0x5], $0xC800, $0x38;
	[tilespmem:$0x19C80] =	vst v63  }
0x28: {  	_ = 	snop  }
0x29: {  	[tilespmem:s2], [sflag:$0x1] =	stream.linear.gather [hbm4b:s8+s2], $0x640, $0x38;
	[tilespmem:$0x19C80] =	vst v63  }
0x2a: {  	_ =	swait.ge [sflag:s19], $0x640  }
0x2b: {  	[sflag:s19] =	ssyncset.done $0x0  }
0x2c: {  	[sflag:s19] =	ssyncadd.s32 $0xFFFFF9C0  }
0x2d: {  	[tilespmem:s20], [sflag:$0x4] =	stream.indirect.gather [hbm4b:s3+s15], $0x20, s15, s15, $0xb8;
	[tilespmem:$0x19C80] =	vst v63  }
0x2e: {  	_ =	swait.ge [sflag:s21], $0xC800  }
0x2f: {  	[sflag:s21] =	ssyncset.done $0x0  }
0x30: {  	[sflag:s21] =	ssyncadd.s32 $0xFFFF3800  }
0x31: {  	[hbm4b:s9+s2] =	stream.linear.scatter [tilespmem:s20], [sflag:$0x6], $0xC800, $0x38;
	[tilespmem:$0x19C80] =	vst v63  }
0x32: {  	s25 =	smov.u32 s14;
	s26 =	smov.u32 s12;
	s28 =	simm.s32 $0x0  }
0x33: {  	[tilespmem:s15], [sflag:$0x2] =	stream.linear.gather [hbm4b:s10+s2], $0x640, $0x38;
	[tilespmem:$0x19C80] =	vst v63  }
.LBB2_2:
0x34: {  	_ =	swait.ge [sflag:s16], $0x640  }
0x35: {  	[sflag:s16] =	ssyncset.done $0x0  }
0x36: {  	[sflag:s16] =	ssyncadd.s32 $0xFFFFF9C0  }
0x37: {  	_ =	swait.ge [sflag:s22], $0xC800  }
0x38: {  	[sflag:s22] =	ssyncset.done $0x0  }
0x39: {  	[sflag:s22] =	ssyncadd.s32 $0xFFFF3800  }
0x3a: {  	[tilespmem:s17], [sflag:$0x3] =	stream.indirect.gather [hbm4b:s3+s15], $0x20, s2, s15, $0xb8;
	[tilespmem:$0x19C80] =	vst v63  }
0x3b: {  	_ =	swait.ge [sflag:s18], $0xC800  }
0x3c: {  	[sflag:s18] =	ssyncset.done $0x0  }
0x3d: {  	p0 =	seq.s32 s28, $0x15E0;
	[sflag:s18] =	ssyncadd.s32 $0xFFFF3800  }
0x3e: {  	[hbm4b:s25+s2] =	stream.linear.scatter [tilespmem:s17], [sflag:$0x5], $0xC800, $0x38;
	[tilespmem:$0x19C80] =	vst v63  }
0x3f: {  	s29 =	sadd.s32 @!p0 s28, s13;
	s30 =	simm.s32 @!p0 $0x0  }
0x40: {  	[tilespmem:s30], [sflag:$0x1] =	stream.linear.gather @!p0 [hbm4b:s29+s30], $0x640, $0x38;
	[tilespmem:$0x19C80] =	vst v63  }
0x41: {  	_ =	swait.ge [sflag:s19], $0x640  }
0x42: {  	[sflag:s19] =	ssyncset.done $0x0  }
0x43: {  	[sflag:s19] =	ssyncadd.s32 $0xFFFFF9C0  }
0x44: {  	_ =	swait.ge [sflag:s23], $0xC800  }
0x45: {  	[sflag:s23] =	ssyncset.done $0x0  }
0x46: {  	[sflag:s23] =	ssyncadd.s32 $0xFFFF3800  }
0x47: {  	[tilespmem:s20], [sflag:$0x4] =	stream.indirect.gather [hbm4b:s3+s15], $0x20, s15, s15, $0xb8;
	[tilespmem:$0x19C80] =	vst v63  }
.Ltmp2:
0x48: {  	_ = 	snop;
	(pc) =	sbr.rel @p0 .LBB2_4-.Ltmp2, $4  }
0x49: {  	_ =	swait.ge [sflag:s21], $0xC800  }
0x4a: {  	[sflag:s21] =	ssyncset.done $0x0  }
0x4b: {  	[sflag:s21] =	ssyncadd.s32 $0xFFFF3800  }
0x4c: {  	[hbm4b:s26+s2] =	stream.linear.scatter [tilespmem:s20], [sflag:$0x6], $0xC800, $0x38;
	[tilespmem:$0x19C80] =	vst v63  }
.Ltmp3:
0x4d: {  	(pc) =	sbr.rel .LBB2_2-.Ltmp3, $4  }
0x4e: {  	_ = 	snop  }
0x4f: {  	s29 =	sadd.s32 s28, s11  }
0x50: {  	s28 =	sadd.s32 $0x190, s28;
	s26 =	sadd.s32 $0x3200, s26;
	s25 =	sadd.s32 $0x3200, s25  }
0x51: {  	[tilespmem:s15], [sflag:$0x2] =	stream.linear.gather [hbm4b:s29+s2], $0x640, $0x38;
	[tilespmem:$0x19C80] =	vst v63  }
.LBB2_5:
0x52: {  	_ =	sfence.sel $0x180000  }
0x53: {  	[bflag:$0x0] =	sbarrier.arrive $0xFFFF  }
0x54: {  	p0 =	sne.s32 s1, $0x0;
	_ =	strace $0x90000047  }
0x55: {  	s0 =	sadd.s32 @!p0 $0x100000, s0;
	[bflag:$0x2] =	sbarrier.arrive $0xFFFF  }
0x56: {  	[sflag:s0] =	ssyncadd.tile.s32 @!p0 $0x1;
	_ =	shalt  }
.Lfunc_end2:
_tile_overlayer_lowered:
.L_overlay_start_2:
0x57: {  	(tag) =	ssettag $0x2  }
0x58: {  	s0 =	rddreg [dreg:$0x0];
	s2 =	stileid.u32  }
0x59: {  	s1 =	rddreg [dreg:$0x1];
	p0 =	sne.s32 s2, $0x0  }
0x5a: {  	s3 =	rddreg [dreg:$0x2];
	[bflag:$0x3] =	sbarrier.arrive $0xFFFF;
	s2 =	simm.s32 @!p0 $0x1C07  }
0x5b: {  	[timem:s3], [sflag:s2] =	dma.local @!p0 [hbm:s0], s1  }
0x5c: {  	s0 =	simm.s32 @!p0 $0x7  }
0x5d: {  	_ =	swait.ge @!p0 [sflag:s0], s1  }
0x5e: {  	s1 =	ssub.s32 @!p0 $0x0, s1;
	[sflag:s0] =	ssyncset.done @!p0 $0x0  }
0x5f: {  	[sflag:s0] =	ssyncadd.s32 @!p0 s1  }
0x60: {  	[bflag:$0x3] =	sbarrier.arrive $0xFFFF  }
0x61: {  	_ =	shalt  }

</sc_bundles>
